<compile_context>
chip_gen: v7x
topology: tpu7x:2x2x1
jax: 0.10.2.dev20260603
libtpu: 0.0.44.dev20260713+nightly
codegen_flags: <defaults>
</compile_context>

<pallas_src>
import functools

import jax
import jax.numpy as jnp
import numpy as np
from jax.experimental import pallas as pl

HEADS = 4
C = 192
INNER = 3 * C
DH = INNER // HEADS
PH = PW = 8
NPP = PH * PW
NH = NW = 28
NPATCH = NH * NW
HW = 224 * 224
PYR_CELLS = 21

PATCHES_PER_STEP = 16
TOK_PER_STEP = PATCHES_PER_STEP * NPP
GRID1 = NPATCH // PATCHES_PER_STEP

PIX_PER_STEP = 3584
GRID3 = HW // PIX_PER_STEP

_F32 = jnp.float32


def _attn_kernel(t_ref, wq_ref, wk_ref, wv_ref, wo_ref, out_ref, sums_ref):
    t = t_ref[...]
    q = jnp.dot(t, wq_ref[...], preferred_element_type=_F32)
    k = jnp.dot(t, wk_ref[...], preferred_element_type=_F32)
    v = jnp.dot(t, wv_ref[...], preferred_element_type=_F32)
    outs = []
    for h in range(HEADS):
        sl = slice(h * DH, (h + 1) * DH)
        qh = q[:, sl].reshape(PATCHES_PER_STEP, NPP, DH)
        kh = k[:, sl].reshape(PATCHES_PER_STEP, NPP, DH)
        vh = v[:, sl].reshape(PATCHES_PER_STEP, NPP, DH)
        s = jax.lax.dot_general(qh, kh, (((2,), (2,)), ((0,), (0,))),
                                preferred_element_type=_F32)
        m = jnp.max(s, axis=-1, keepdims=True)
        p = jnp.exp(s - m)
        z = jnp.sum(p, axis=-1, keepdims=True)
        d = p / z
        oh = jax.lax.dot_general(d, vh, (((2,), (1,)), ((0,), (0,))),
                                 preferred_element_type=_F32)
        outs.append(oh.reshape(TOK_PER_STEP, DH))
    o = jnp.concatenate(outs, axis=1)
    out_ref[...] = jnp.dot(o, wo_ref[...], preferred_element_type=_F32)
    sums_ref[...] = jnp.sum(t.reshape(PATCHES_PER_STEP, NPP, C), axis=1)


def _ctx_kernel(sums_ref, m_ref, wf_ref, fc_ref):
    pooled = jax.lax.dot_general(sums_ref[...], m_ref[...],
                                 (((0,), (0,)), ((), ())),
                                 preferred_element_type=_F32)
    feats = jax.lax.dot_general(wf_ref[...], pooled,
                                (((0,), (0,)), ((), ())),
                                preferred_element_type=_F32)
    mx = jnp.max(feats, axis=-1, keepdims=True)
    e = jnp.exp(feats - mx)
    keys = e / jnp.sum(e, axis=-1, keepdims=True)
    fc_ref[...] = jax.lax.dot_general(feats, keys, (((1,), (1,)), ((), ())),
                                      preferred_element_type=_F32)


def _fmam_kernel(x_ref, spa_ref, fc_ref, wq_ref, bq_ref, wdw_ref, out_ref):
    x = x_ref[...]
    qf = jax.lax.dot_general(wq_ref[...], x, (((0,), (0,)), ((), ())),
                             preferred_element_type=_F32)
    qf = qf + bq_ref[...]
    mx = jnp.max(qf, axis=0, keepdims=True)
    e = jnp.exp(qf - mx)
    qf = e / jnp.sum(e, axis=0, keepdims=True)
    fa = jax.lax.dot_general(fc_ref[...], qf, (((0,), (0,)), ((), ())),
                             preferred_element_type=_F32)
    w0 = wdw_ref[:, 0:1]
    w1 = wdw_ref[:, 1:2]
    out_ref[...] = spa_ref[...] * w0 + fa * w1


def _pool_matrix():
    m = np.zeros((NPATCH, PYR_CELLS), dtype=np.float32)
    col = 0
    for lvl in range(3):
        s = 2 ** lvl
        pps = NH // s
        npx = (224 // s) * (224 // s)
        for i in range(s):
            for j in range(s):
                for ph in range(i * pps, (i + 1) * pps):
                    for pw_ in range(j * pps, (j + 1) * pps):
                        m[ph * NW + pw_, col] = 1.0 / npx
                col += 1
    return m


@functools.partial(jax.jit, static_argnums=())
def kernel(x, Wq, Wk, Wv, Wo, Wquer, bquer, Wf, Wdw, alpha, beta):
    del alpha, beta
    t = (x.reshape(C, NH, PH, NW, PW)
          .transpose(1, 3, 2, 4, 0)
          .reshape(NPATCH * NPP, C))

    spa_pm, sums = pl.pallas_call(
        _attn_kernel,
        grid=(GRID1,),
        in_specs=[
            pl.BlockSpec((TOK_PER_STEP, C), lambda i: (i, 0)),
            pl.BlockSpec((C, INNER), lambda i: (0, 0)),
            pl.BlockSpec((C, INNER), lambda i: (0, 0)),
            pl.BlockSpec((C, INNER), lambda i: (0, 0)),
            pl.BlockSpec((INNER, C), lambda i: (0, 0)),
        ],
        out_specs=[
            pl.BlockSpec((TOK_PER_STEP, C), lambda i: (i, 0)),
            pl.BlockSpec((PATCHES_PER_STEP, C), lambda i: (i, 0)),
        ],
        out_shape=[
            jax.ShapeDtypeStruct((NPATCH * NPP, C), _F32),
            jax.ShapeDtypeStruct((NPATCH, C), _F32),
        ],
    )(t, Wq, Wk, Wv, Wo)

    pool_m = jnp.asarray(_pool_matrix())
    fc = pl.pallas_call(
        _ctx_kernel,
        out_shape=jax.ShapeDtypeStruct((C, C), _F32),
    )(sums, pool_m, Wf)

    spa = (spa_pm.reshape(NH, NW, PH, PW, C)
           .transpose(4, 0, 2, 1, 3)
           .reshape(C, HW))

    x2d = x.reshape(C, HW)
    out = pl.pallas_call(
        _fmam_kernel,
        grid=(GRID3,),
        in_specs=[
            pl.BlockSpec((C, PIX_PER_STEP), lambda i: (0, i)),
            pl.BlockSpec((C, PIX_PER_STEP), lambda i: (0, i)),
            pl.BlockSpec((C, C), lambda i: (0, 0)),
            pl.BlockSpec((C, C), lambda i: (0, 0)),
            pl.BlockSpec((C, 1), lambda i: (0, 0)),
            pl.BlockSpec((C, 2), lambda i: (0, 0)),
        ],
        out_specs=pl.BlockSpec((C, PIX_PER_STEP), lambda i: (0, i)),
        out_shape=jax.ShapeDtypeStruct((C, HW), _F32),
    )(x2d, spa, fc, Wquer, bquer.reshape(C, 1), Wdw)

    return out.reshape(1, C, 224, 224)

# --- scband reference (transcript-rebuilt; emitter-appended) ---
"""Pipeline reference for scband-fpsattn-58514634441159 (READ-ONLY COPY).

The authoritative reference and input builder live on the scoring server;
editing this copy changes nothing except your own understanding.
"""

import jax, jax.numpy as jnp
import numpy as np

HEADS = 4
N_ROUNDS = 2
CHANNELS = 192
PH, PW = 8, 8
R = 1.0
PYR = 3
B0, H0, W0 = 1, 224, 224


def setup_inputs(seed: int = 0):
    key = jax.random.key(seed)
    ks = jax.random.split(key, 11)
    c = CHANNELS
    inner = 3 * c
    s = 0.05
    x = jax.random.normal(ks[0], (B0, c, H0, W0), dtype=jnp.float32)
    Wq = jax.random.normal(ks[1], (c, inner), dtype=jnp.float32) * s
    Wk = jax.random.normal(ks[2], (c, inner), dtype=jnp.float32) * s
    Wv = jax.random.normal(ks[3], (c, inner), dtype=jnp.float32) * s
    Wo = jax.random.normal(ks[4], (inner, c), dtype=jnp.float32) * s
    Wquer = jax.random.normal(ks[5], (c, c), dtype=jnp.float32) * s
    bquer = jnp.zeros((c,), dtype=jnp.float32)
    Wf = jax.random.normal(ks[6], (c, c), dtype=jnp.float32) * s
    Wdw = jax.random.normal(ks[7], (c, 2), dtype=jnp.float32) * s
    hash_dim = c // HEADS + 2
    alpha = jax.random.normal(ks[8], (hash_dim, N_ROUNDS), dtype=jnp.float32)
    beta = jax.random.uniform(ks[9], (1, N_ROUNDS), dtype=jnp.float32) * R
    return {"x": x, "Wq": Wq, "Wk": Wk, "Wv": Wv, "Wo": Wo, "Wquer": Wquer,
            "bquer": bquer, "Wf": Wf, "Wdw": Wdw, "alpha": alpha, "beta": beta}


def _forward(x, Wq, Wk, Wv, Wo, Wquer, bquer, Wf, Wdw, alpha, beta):
    c = CHANNELS
    inp = jnp.transpose(x, (0, 2, 3, 1))  # b,h,w,c
    input_inti = inp
    b, h, w, cc = inp.shape
    nh, nw = h // PH, w // PW
    # rearrange b (nh hh) (nw ww) c -> b (nh nw) (hh ww c)
    t = inp.reshape(b, nh, PH, nw, PW, cc).transpose(0, 1, 3, 2, 4, 5).reshape(b, nh * nw, PH * PW * cc)
    N_input = nh * nw
    t = t.reshape(b * N_input, PH * PW, cc)  # (B, N, c)
    B, N, C_inp = t.shape
    query = t @ Wq
    key_ = t @ Wk
    value = t @ Wv
    # --- LSH clustering (torch.no_grad block) ---
    dh_hash = C_inp // HEADS
    x_hash = t.reshape(B, N, HEADS, dh_hash).transpose(0, 2, 1, 3).reshape(B * HEADS, N, dh_hash)
    x_hash = jax.lax.stop_gradient(x_hash)
    x_norms = jnp.linalg.norm(x_hash, axis=-1, keepdims=True)
    MX = jnp.max(x_norms, axis=-2, keepdims=True)
    ext = jnp.sqrt(jnp.maximum(MX ** 2 - x_norms ** 2, 0.0))
    zero = jnp.zeros(x_hash.shape[:-1] + (1,), dtype=x_hash.dtype)
    Xs = jnp.concatenate([x_hash, ext, zero], axis=-1)
    proj = (Xs @ alpha + beta) / R  # (bs, N, n_rounds)
    x_hashed = jnp.transpose(proj, (2, 0, 1))  # (n_rounds, bs, N)
    x_positions = jnp.argsort(x_hashed, axis=-1)
    # --- block attention ---
    C = query.shape[-1]
    dh = C // HEADS
    q = query.reshape(B, N, HEADS, dh).transpose(0, 2, 1, 3).reshape(B * HEADS, N, dh)
    k = key_.reshape(B, N, HEADS, dh).transpose(0, 2, 1, 3).reshape(B * HEADS, N, dh)
    v = value.reshape(B, N, HEADS, dh).transpose(0, 2, 1, 3).reshape(B * HEADS, N, dh)
    bs = B * HEADS
    x_rev_positions = jnp.argsort(x_positions, axis=-1)
    x_offset = jnp.arange(bs)[:, None] * N
    x_flat = (x_positions + x_offset).reshape(-1)
    s_q = jnp.take(q.reshape(-1, dh), x_flat, axis=0).reshape(-1, N, dh)
    s_k = jnp.take(k.reshape(-1, dh), x_flat, axis=0).reshape(-1, N, dh)
    s_v = jnp.take(v.reshape(-1, dh), x_flat, axis=0).reshape(-1, N, dh)
    inner = jnp.einsum('bqd,bkd->bqk', s_q, s_k)
    lse = jax.scipy.special.logsumexp(inner, axis=-1, keepdims=True)
    dots = jnp.exp(inner - lse)
    bo = jnp.einsum('bqk,bkd->bqd', dots, s_v).reshape(N_ROUNDS, bs, N, dh)
    x_offset2 = jnp.arange(bs * N_ROUNDS)[:, None] * N
    x_rev_flat = (x_rev_positions.reshape(-1, N) + x_offset2).reshape(-1)
    o = jnp.take(bo.reshape(-1, dh), x_rev_flat, axis=0).reshape(N_ROUNDS, bs, N, dh)
    slogits = lse.reshape(N_ROUNDS, bs, N)
    logits = jnp.take_along_axis(slogits, x_rev_positions, axis=2)
    probs = jnp.exp(logits - jax.scipy.special.logsumexp(logits, axis=0, keepdims=True))
    out = jnp.sum(o * probs[..., None], axis=0)  # (bs, N, dh)
    out = out.reshape(B, HEADS, N, dh).transpose(0, 2, 1, 3).reshape(B, N, HEADS * dh)
    out = out @ Wo  # (B, N, c)
    out = out.reshape(b, N_input, N * c)
    F_spa = out.reshape(b, nh, nw, PH, PW, c).transpose(0, 1, 3, 2, 4, 5).reshape(b, h, w, c)
    # --- FMAM frequency/global-context branch ---
    x_fre = jnp.transpose(input_inti, (0, 3, 1, 2))  # b,c,h,w
    f = jnp.einsum('bchw,cd->bdhw', x_fre, Wf)
    feats = []
    for l in range(PYR):
        s = 2 ** l
        pooled = f.reshape(b, c, s, h // s, s, w // s).mean(axis=(3, 5))
        feats.append(pooled.reshape(b, c, s * s))
    feats = jnp.concatenate(feats, axis=-1)  # (b, c, S)
    keys_f = jax.nn.softmax(feats, axis=-1)
    freq_context = jnp.einsum('bcs,bds->bcd', feats, keys_f)  # (b, c, c)
    q_feat = jnp.einsum('bchw,cd->bdhw', x_fre, Wquer) + bquer[None, :, None, None]
    q_feat = jax.nn.softmax(q_feat.reshape(b, c, h * w), axis=1)
    freq_attention = jnp.einsum('bcd,bcn->bdn', freq_context, q_feat).reshape(b, c, h, w)
    spa = jnp.transpose(F_spa, (0, 3, 1, 2))
    # depthwise Conv3d kernel (2,1,1), no bias -> per-channel weighted sum of the two maps
    out2 = spa * Wdw[None, :, 0, None, None] + freq_attention * Wdw[None, :, 1, None, None]
    return out2


def reference(x, Wq, Wk, Wv, Wo, Wquer, bquer, Wf, Wdw, alpha, beta):
    return _forward(x, Wq, Wk, Wv, Wo, Wquer, bquer, Wf, Wdw, alpha, beta)

if __name__ == "__main__":
    import jax
    _d = setup_inputs()
    print(jax.jit(kernel)(*tuple(_d.values())))

</pallas_src>

<mosaic_0001>
module attributes {stable_mosaic.version = 14 : i64} {
  func.func @_attn_kernel(%arg0: i32, %arg1: memref<1024x192xf32, #tpu.memory_space<vmem>>, %arg2: memref<192x576xf32, #tpu.memory_space<vmem>>, %arg3: memref<192x576xf32, #tpu.memory_space<vmem>>, %arg4: memref<192x576xf32, #tpu.memory_space<vmem>>, %arg5: memref<576x192xf32, #tpu.memory_space<vmem>>, %arg6: memref<1024x192xf32, #tpu.memory_space<vmem>>, %arg7: memref<16x192xf32, #tpu.memory_space<vmem>>) attributes {dimension_semantics = [#tpu.dimension_semantics<arbitrary>], iteration_bounds = array<i64: 49>, scalar_prefetch = 0 : i64, scratch_operands = 0 : i64, tpu.core_type = #tpu.core_type<tc>, window_params = [{transform_indices = @transform_0, window_bounds = array<i64: 1024, 192>}, {pipeline_mode = #tpu.pipeline_mode<synchronous>, transform_indices = @transform_1, window_bounds = array<i64: 192, 576>}, {pipeline_mode = #tpu.pipeline_mode<synchronous>, transform_indices = @transform_2, window_bounds = array<i64: 192, 576>}, {pipeline_mode = #tpu.pipeline_mode<synchronous>, transform_indices = @transform_3, window_bounds = array<i64: 192, 576>}, {pipeline_mode = #tpu.pipeline_mode<synchronous>, transform_indices = @transform_4, window_bounds = array<i64: 576, 192>}, {transform_indices = @transform_5, window_bounds = array<i64: 1024, 192>}, {transform_indices = @transform_6, window_bounds = array<i64: 16, 192>}]} {
    %get3A = arith.constant 0 : index
    %get3A_0 = arith.constant 0 : index
    %get3A_1 = vector.load %arg1[%get3A, %get3A_0] : memref<1024x192xf32, #tpu.memory_space<vmem>>, vector<1024x192xf32>
    %get3A_2 = arith.constant 0 : index
    %get3A_3 = arith.constant 0 : index
    %get3A_4 = vector.load %arg2[%get3A_2, %get3A_3] : memref<192x576xf32, #tpu.memory_space<vmem>>, vector<192x576xf32>
    %dot_general3A = arith.constant dense<0.000000e+00> : vector<1024x576xf32>
    %dot_general3A_5 = tpu.matmul %get3A_1, %get3A_4, %dot_general3A {dimension_numbers = #tpu.dot_dimension_numbers<[1], [0], [0], [1], [0, 0, 1, 1], [], []>, transpose_lhs_hint = false} : vector<1024x192xf32>, vector<192x576xf32>, vector<1024x576xf32> -> vector<1024x576xf32>
    %get3A_6 = arith.constant 0 : index
    %get3A_7 = arith.constant 0 : index
    %get3A_8 = vector.load %arg3[%get3A_6, %get3A_7] : memref<192x576xf32, #tpu.memory_space<vmem>>, vector<192x576xf32>
    %dot_general3A_9 = arith.constant dense<0.000000e+00> : vector<1024x576xf32>
    %dot_general3A_10 = tpu.matmul %get3A_1, %get3A_8, %dot_general3A_9 {dimension_numbers = #tpu.dot_dimension_numbers<[1], [0], [0], [1], [0, 0, 1, 1], [], []>, transpose_lhs_hint = false} : vector<1024x192xf32>, vector<192x576xf32>, vector<1024x576xf32> -> vector<1024x576xf32>
    %get3A_11 = arith.constant 0 : index
    %get3A_12 = arith.constant 0 : index
    %get3A_13 = vector.load %arg4[%get3A_11, %get3A_12] : memref<192x576xf32, #tpu.memory_space<vmem>>, vector<192x576xf32>
    %dot_general3A_14 = arith.constant dense<0.000000e+00> : vector<1024x576xf32>
    %dot_general3A_15 = tpu.matmul %get3A_1, %get3A_13, %dot_general3A_14 {dimension_numbers = #tpu.dot_dimension_numbers<[1], [0], [0], [1], [0, 0, 1, 1], [], []>, transpose_lhs_hint = false} : vector<1024x192xf32>, vector<192x576xf32>, vector<1024x576xf32> -> vector<1024x576xf32>
    %slice3A = vector.extract_strided_slice %dot_general3A_5 {offsets = [0, 0], sizes = [1024, 144], strides = [1, 1]} : vector<1024x576xf32> to vector<1024x144xf32>
    %reshape3A = vector.shape_cast %slice3A : vector<1024x144xf32> to vector<16x64x144xf32>
    %slice3A_16 = vector.extract_strided_slice %dot_general3A_10 {offsets = [0, 0], sizes = [1024, 144], strides = [1, 1]} : vector<1024x576xf32> to vector<1024x144xf32>
    %reshape3A_17 = vector.shape_cast %slice3A_16 : vector<1024x144xf32> to vector<16x64x144xf32>
    %slice3A_18 = vector.extract_strided_slice %dot_general3A_15 {offsets = [0, 0], sizes = [1024, 144], strides = [1, 1]} : vector<1024x576xf32> to vector<1024x144xf32>
    %reshape3A_19 = vector.shape_cast %slice3A_18 : vector<1024x144xf32> to vector<16x64x144xf32>
    %dot_general3A_20 = arith.constant dense<0.000000e+00> : vector<16x64x64xf32>
    %dot_general3A_21 = tpu.matmul %reshape3A, %reshape3A_17, %dot_general3A_20 {dimension_numbers = #tpu.dot_dimension_numbers<[2], [2], [1], [1], [0, 0, 0, 1, 1, 1], [0], [0]>, transpose_lhs_hint = false} : vector<16x64x144xf32>, vector<16x64x144xf32>, vector<16x64x64xf32> -> vector<16x64x64xf32>
    %reduce_max3A = arith.constant dense<0xFF800000> : vector<16x64xf32>
    %reduce_max3A_22 = vector.multi_reduction <maximumf>, %dot_general3A_21, %reduce_max3A [2] : vector<16x64x64xf32> to vector<16x64xf32>
    %broadcast_in_dim3A = vector.shape_cast %reduce_max3A_22 : vector<16x64xf32> to vector<16x64x1xf32>
    %sub3A = vector.broadcast %broadcast_in_dim3A : vector<16x64x1xf32> to vector<16x64x64xf32>
    %sub3A_23 = arith.subf %dot_general3A_21, %sub3A : vector<16x64x64xf32>
    %exp3A = math.exp %sub3A_23 : vector<16x64x64xf32>
    %reduce_sum3A = arith.constant dense<0.000000e+00> : vector<16x64xf32>
    %reduce_sum3A_24 = vector.multi_reduction <add>, %exp3A, %reduce_sum3A [2] : vector<16x64x64xf32> to vector<16x64xf32>
    %broadcast_in_dim3A_25 = vector.shape_cast %reduce_sum3A_24 : vector<16x64xf32> to vector<16x64x1xf32>
    %div3A = vector.broadcast %broadcast_in_dim3A_25 : vector<16x64x1xf32> to vector<16x64x64xf32>
    %div3A_26 = arith.divf %exp3A, %div3A : vector<16x64x64xf32>
    %dot_general3A_27 = arith.constant dense<0.000000e+00> : vector<16x64x144xf32>
    %dot_general3A_28 = tpu.matmul %div3A_26, %reshape3A_19, %dot_general3A_27 {dimension_numbers = #tpu.dot_dimension_numbers<[2], [1], [1], [2], [0, 0, 0, 1, 1, 2], [0], [0]>, transpose_lhs_hint = false} : vector<16x64x64xf32>, vector<16x64x144xf32>, vector<16x64x144xf32> -> vector<16x64x144xf32>
    %reshape3A_29 = vector.shape_cast %dot_general3A_28 : vector<16x64x144xf32> to vector<1024x144xf32>
    %slice3A_30 = vector.extract_strided_slice %dot_general3A_5 {offsets = [0, 144], sizes = [1024, 144], strides = [1, 1]} : vector<1024x576xf32> to vector<1024x144xf32>
    %reshape3A_31 = vector.shape_cast %slice3A_30 : vector<1024x144xf32> to vector<16x64x144xf32>
    %slice3A_32 = vector.extract_strided_slice %dot_general3A_10 {offsets = [0, 144], sizes = [1024, 144], strides = [1, 1]} : vector<1024x576xf32> to vector<1024x144xf32>
    %reshape3A_33 = vector.shape_cast %slice3A_32 : vector<1024x144xf32> to vector<16x64x144xf32>
    %slice3A_34 = vector.extract_strided_slice %dot_general3A_15 {offsets = [0, 144], sizes = [1024, 144], strides = [1, 1]} : vector<1024x576xf32> to vector<1024x144xf32>
    %reshape3A_35 = vector.shape_cast %slice3A_34 : vector<1024x144xf32> to vector<16x64x144xf32>
    %dot_general3A_36 = arith.constant dense<0.000000e+00> : vector<16x64x64xf32>
    %dot_general3A_37 = tpu.matmul %reshape3A_31, %reshape3A_33, %dot_general3A_36 {dimension_numbers = #tpu.dot_dimension_numbers<[2], [2], [1], [1], [0, 0, 0, 1, 1, 1], [0], [0]>, transpose_lhs_hint = false} : vector<16x64x144xf32>, vector<16x64x144xf32>, vector<16x64x64xf32> -> vector<16x64x64xf32>
    %reduce_max3A_38 = arith.constant dense<0xFF800000> : vector<16x64xf32>
    %reduce_max3A_39 = vector.multi_reduction <maximumf>, %dot_general3A_37, %reduce_max3A_38 [2] : vector<16x64x64xf32> to vector<16x64xf32>
    %broadcast_in_dim3A_40 = vector.shape_cast %reduce_max3A_39 : vector<16x64xf32> to vector<16x64x1xf32>
    %sub3A_41 = vector.broadcast %broadcast_in_dim3A_40 : vector<16x64x1xf32> to vector<16x64x64xf32>
    %sub3A_42 = arith.subf %dot_general3A_37, %sub3A_41 : vector<16x64x64xf32>
    %exp3A_43 = math.exp %sub3A_42 : vector<16x64x64xf32>
    %reduce_sum3A_44 = arith.constant dense<0.000000e+00> : vector<16x64xf32>
    %reduce_sum3A_45 = vector.multi_reduction <add>, %exp3A_43, %reduce_sum3A_44 [2] : vector<16x64x64xf32> to vector<16x64xf32>
    %broadcast_in_dim3A_46 = vector.shape_cast %reduce_sum3A_45 : vector<16x64xf32> to vector<16x64x1xf32>
    %div3A_47 = vector.broadcast %broadcast_in_dim3A_46 : vector<16x64x1xf32> to vector<16x64x64xf32>
    %div3A_48 = arith.divf %exp3A_43, %div3A_47 : vector<16x64x64xf32>
    %dot_general3A_49 = arith.constant dense<0.000000e+00> : vector<16x64x144xf32>
    %dot_general3A_50 = tpu.matmul %div3A_48, %reshape3A_35, %dot_general3A_49 {dimension_numbers = #tpu.dot_dimension_numbers<[2], [1], [1], [2], [0, 0, 0, 1, 1, 2], [0], [0]>, transpose_lhs_hint = false} : vector<16x64x64xf32>, vector<16x64x144xf32>, vector<16x64x144xf32> -> vector<16x64x144xf32>
    %reshape3A_51 = vector.shape_cast %dot_general3A_50 : vector<16x64x144xf32> to vector<1024x144xf32>
    %slice3A_52 = vector.extract_strided_slice %dot_general3A_5 {offsets = [0, 288], sizes = [1024, 144], strides = [1, 1]} : vector<1024x576xf32> to vector<1024x144xf32>
    %reshape3A_53 = vector.shape_cast %slice3A_52 : vector<1024x144xf32> to vector<16x64x144xf32>
    %slice3A_54 = vector.extract_strided_slice %dot_general3A_10 {offsets = [0, 288], sizes = [1024, 144], strides = [1, 1]} : vector<1024x576xf32> to vector<1024x144xf32>
    %reshape3A_55 = vector.shape_cast %slice3A_54 : vector<1024x144xf32> to vector<16x64x144xf32>
    %slice3A_56 = vector.extract_strided_slice %dot_general3A_15 {offsets = [0, 288], sizes = [1024, 144], strides = [1, 1]} : vector<1024x576xf32> to vector<1024x144xf32>
    %reshape3A_57 = vector.shape_cast %slice3A_56 : vector<1024x144xf32> to vector<16x64x144xf32>
    %dot_general3A_58 = arith.constant dense<0.000000e+00> : vector<16x64x64xf32>
    %dot_general3A_59 = tpu.matmul %reshape3A_53, %reshape3A_55, %dot_general3A_58 {dimension_numbers = #tpu.dot_dimension_numbers<[2], [2], [1], [1], [0, 0, 0, 1, 1, 1], [0], [0]>, transpose_lhs_hint = false} : vector<16x64x144xf32>, vector<16x64x144xf32>, vector<16x64x64xf32> -> vector<16x64x64xf32>
    %reduce_max3A_60 = arith.constant dense<0xFF800000> : vector<16x64xf32>
    %reduce_max3A_61 = vector.multi_reduction <maximumf>, %dot_general3A_59, %reduce_max3A_60 [2] : vector<16x64x64xf32> to vector<16x64xf32>
    %broadcast_in_dim3A_62 = vector.shape_cast %reduce_max3A_61 : vector<16x64xf32> to vector<16x64x1xf32>
    %sub3A_63 = vector.broadcast %broadcast_in_dim3A_62 : vector<16x64x1xf32> to vector<16x64x64xf32>
    %sub3A_64 = arith.subf %dot_general3A_59, %sub3A_63 : vector<16x64x64xf32>
    %exp3A_65 = math.exp %sub3A_64 : vector<16x64x64xf32>
    %reduce_sum3A_66 = arith.constant dense<0.000000e+00> : vector<16x64xf32>
    %reduce_sum3A_67 = vector.multi_reduction <add>, %exp3A_65, %reduce_sum3A_66 [2] : vector<16x64x64xf32> to vector<16x64xf32>
    %broadcast_in_dim3A_68 = vector.shape_cast %reduce_sum3A_67 : vector<16x64xf32> to vector<16x64x1xf32>
    %div3A_69 = vector.broadcast %broadcast_in_dim3A_68 : vector<16x64x1xf32> to vector<16x64x64xf32>
    %div3A_70 = arith.divf %exp3A_65, %div3A_69 : vector<16x64x64xf32>
    %dot_general3A_71 = arith.constant dense<0.000000e+00> : vector<16x64x144xf32>
    %dot_general3A_72 = tpu.matmul %div3A_70, %reshape3A_57, %dot_general3A_71 {dimension_numbers = #tpu.dot_dimension_numbers<[2], [1], [1], [2], [0, 0, 0, 1, 1, 2], [0], [0]>, transpose_lhs_hint = false} : vector<16x64x64xf32>, vector<16x64x144xf32>, vector<16x64x144xf32> -> vector<16x64x144xf32>
    %reshape3A_73 = vector.shape_cast %dot_general3A_72 : vector<16x64x144xf32> to vector<1024x144xf32>
    %slice3A_74 = vector.extract_strided_slice %dot_general3A_5 {offsets = [0, 432], sizes = [1024, 144], strides = [1, 1]} : vector<1024x576xf32> to vector<1024x144xf32>
    %reshape3A_75 = vector.shape_cast %slice3A_74 : vector<1024x144xf32> to vector<16x64x144xf32>
    %slice3A_76 = vector.extract_strided_slice %dot_general3A_10 {offsets = [0, 432], sizes = [1024, 144], strides = [1, 1]} : vector<1024x576xf32> to vector<1024x144xf32>
    %reshape3A_77 = vector.shape_cast %slice3A_76 : vector<1024x144xf32> to vector<16x64x144xf32>
    %slice3A_78 = vector.extract_strided_slice %dot_general3A_15 {offsets = [0, 432], sizes = [1024, 144], strides = [1, 1]} : vector<1024x576xf32> to vector<1024x144xf32>
    %reshape3A_79 = vector.shape_cast %slice3A_78 : vector<1024x144xf32> to vector<16x64x144xf32>
    %dot_general3A_80 = arith.constant dense<0.000000e+00> : vector<16x64x64xf32>
    %dot_general3A_81 = tpu.matmul %reshape3A_75, %reshape3A_77, %dot_general3A_80 {dimension_numbers = #tpu.dot_dimension_numbers<[2], [2], [1], [1], [0, 0, 0, 1, 1, 1], [0], [0]>, transpose_lhs_hint = false} : vector<16x64x144xf32>, vector<16x64x144xf32>, vector<16x64x64xf32> -> vector<16x64x64xf32>
    %reduce_max3A_82 = arith.constant dense<0xFF800000> : vector<16x64xf32>
    %reduce_max3A_83 = vector.multi_reduction <maximumf>, %dot_general3A_81, %reduce_max3A_82 [2] : vector<16x64x64xf32> to vector<16x64xf32>
    %broadcast_in_dim3A_84 = vector.shape_cast %reduce_max3A_83 : vector<16x64xf32> to vector<16x64x1xf32>
    %sub3A_85 = vector.broadcast %broadcast_in_dim3A_84 : vector<16x64x1xf32> to vector<16x64x64xf32>
    %sub3A_86 = arith.subf %dot_general3A_81, %sub3A_85 : vector<16x64x64xf32>
    %exp3A_87 = math.exp %sub3A_86 : vector<16x64x64xf32>
    %reduce_sum3A_88 = arith.constant dense<0.000000e+00> : vector<16x64xf32>
    %reduce_sum3A_89 = vector.multi_reduction <add>, %exp3A_87, %reduce_sum3A_88 [2] : vector<16x64x64xf32> to vector<16x64xf32>
    %broadcast_in_dim3A_90 = vector.shape_cast %reduce_sum3A_89 : vector<16x64xf32> to vector<16x64x1xf32>
    %div3A_91 = vector.broadcast %broadcast_in_dim3A_90 : vector<16x64x1xf32> to vector<16x64x64xf32>
    %div3A_92 = arith.divf %exp3A_87, %div3A_91 : vector<16x64x64xf32>
    %dot_general3A_93 = arith.constant dense<0.000000e+00> : vector<16x64x144xf32>
    %dot_general3A_94 = tpu.matmul %div3A_92, %reshape3A_79, %dot_general3A_93 {dimension_numbers = #tpu.dot_dimension_numbers<[2], [1], [1], [2], [0, 0, 0, 1, 1, 2], [0], [0]>, transpose_lhs_hint = false} : vector<16x64x64xf32>, vector<16x64x144xf32>, vector<16x64x144xf32> -> vector<16x64x144xf32>
    %reshape3A_95 = vector.shape_cast %dot_general3A_94 : vector<16x64x144xf32> to vector<1024x144xf32>
    %concatenate3A = tpu.concatenate %reshape3A_29, %reshape3A_51, %reshape3A_73, %reshape3A_95 in 1 : vector<1024x144xf32>, vector<1024x144xf32>, vector<1024x144xf32>, vector<1024x144xf32> -> vector<1024x576xf32>
    %get3A_96 = arith.constant 0 : index
    %get3A_97 = arith.constant 0 : index
    %get3A_98 = vector.load %arg5[%get3A_96, %get3A_97] : memref<576x192xf32, #tpu.memory_space<vmem>>, vector<576x192xf32>
    %dot_general3A_99 = arith.constant dense<0.000000e+00> : vector<1024x192xf32>
    %dot_general3A_100 = tpu.matmul %concatenate3A, %get3A_98, %dot_general3A_99 {dimension_numbers = #tpu.dot_dimension_numbers<[1], [0], [0], [1], [0, 0, 1, 1], [], []>, transpose_lhs_hint = false} : vector<1024x576xf32>, vector<576x192xf32>, vector<1024x192xf32> -> vector<1024x192xf32>
    %swap3A = arith.constant 0 : index
    %swap3A_101 = arith.constant 0 : index
    %swap3A_102 = vector.load %arg6[%swap3A, %swap3A_101] : memref<1024x192xf32, #tpu.memory_space<vmem>>, vector<1024x192xf32>
    tpu.vector_store %arg6[%swap3A, %swap3A_101], %dot_general3A_100 {strides = array<i32>} : memref<1024x192xf32, #tpu.memory_space<vmem>>, vector<1024x192xf32>,
    %reshape3A_103 = vector.shape_cast %get3A_1 : vector<1024x192xf32> to vector<16x64x192xf32>
    %reduce_sum3A_104 = arith.constant dense<0.000000e+00> : vector<16x192xf32>
    %reduce_sum3A_105 = vector.multi_reduction <add>, %reshape3A_103, %reduce_sum3A_104 [1] : vector<16x64x192xf32> to vector<16x192xf32>
    %swap3A_106 = arith.constant 0 : index
    %swap3A_107 = arith.constant 0 : index
    %swap3A_108 = vector.load %arg7[%swap3A_106, %swap3A_107] : memref<16x192xf32, #tpu.memory_space<vmem>>, vector<16x192xf32>
    tpu.vector_store %arg7[%swap3A_106, %swap3A_107], %reduce_sum3A_105 {strides = array<i32>} : memref<16x192xf32, #tpu.memory_space<vmem>>, vector<16x192xf32>,
    return
  }
  func.func @transform_0(%arg0: i32) -> (i32, i32) {
    %c0_i32 = arith.constant 0 : i32
    %c0_i32_0 = arith.constant 0 : i32
    return %arg0, %c0_i32 : i32, i32
  }
  func.func @transform_1(%arg0: i32) -> (i32, i32) {
    %c0_i32 = arith.constant 0 : i32
    %c0_i32_0 = arith.constant 0 : i32
    %c0_i32_1 = arith.constant 0 : i32
    return %c0_i32, %c0_i32_0 : i32, i32
  }
  func.func @transform_2(%arg0: i32) -> (i32, i32) {
    %c0_i32 = arith.constant 0 : i32
    %c0_i32_0 = arith.constant 0 : i32
    %c0_i32_1 = arith.constant 0 : i32
    return %c0_i32, %c0_i32_0 : i32, i32
  }
  func.func @transform_3(%arg0: i32) -> (i32, i32) {
    %c0_i32 = arith.constant 0 : i32
    %c0_i32_0 = arith.constant 0 : i32
    %c0_i32_1 = arith.constant 0 : i32
    return %c0_i32, %c0_i32_0 : i32, i32
  }
  func.func @transform_4(%arg0: i32) -> (i32, i32) {
    %c0_i32 = arith.constant 0 : i32
    %c0_i32_0 = arith.constant 0 : i32
    %c0_i32_1 = arith.constant 0 : i32
    return %c0_i32, %c0_i32_0 : i32, i32
  }
  func.func @transform_5(%arg0: i32) -> (i32, i32) {
    %c0_i32 = arith.constant 0 : i32
    %c0_i32_0 = arith.constant 0 : i32
    return %arg0, %c0_i32 : i32, i32
  }
  func.func @transform_6(%arg0: i32) -> (i32, i32) {
    %c0_i32 = arith.constant 0 : i32
    %c0_i32_0 = arith.constant 0 : i32
    return %arg0, %c0_i32 : i32, i32
  }
}

module attributes {stable_mosaic.version = 14 : i64} {
  func.func @_ctx_kernel(%arg0: memref<784x192xf32, #tpu.memory_space<vmem>>, %arg1: memref<784x21xf32, #tpu.memory_space<vmem>>, %arg2: memref<192x192xf32, #tpu.memory_space<vmem>>, %arg3: memref<192x192xf32, #tpu.memory_space<vmem>>) attributes {dimension_semantics = [], scalar_prefetch = 0 : i64, scratch_operands = 0 : i64, tpu.core_type = #tpu.core_type<tc>} {
    %get3A = arith.constant 0 : index
    %get3A_0 = arith.constant 0 : index
    %get3A_1 = vector.load %arg0[%get3A, %get3A_0] : memref<784x192xf32, #tpu.memory_space<vmem>>, vector<784x192xf32>
    %get3A_2 = arith.constant 0 : index
    %get3A_3 = arith.constant 0 : index
    %get3A_4 = vector.load %arg1[%get3A_2, %get3A_3] : memref<784x21xf32, #tpu.memory_space<vmem>>, vector<784x21xf32>
    %dot_general3A = arith.constant dense<0.000000e+00> : vector<192x21xf32>
    %dot_general3A_5 = tpu.matmul %get3A_1, %get3A_4, %dot_general3A {dimension_numbers = #tpu.dot_dimension_numbers<[0], [0], [1], [1], [0, 1, 1, 1], [], []>, transpose_lhs_hint = false} : vector<784x192xf32>, vector<784x21xf32>, vector<192x21xf32> -> vector<192x21xf32>
    %get3A_6 = arith.constant 0 : index
    %get3A_7 = arith.constant 0 : index
    %get3A_8 = vector.load %arg2[%get3A_6, %get3A_7] : memref<192x192xf32, #tpu.memory_space<vmem>>, vector<192x192xf32>
    %dot_general3A_9 = arith.constant dense<0.000000e+00> : vector<192x21xf32>
    %dot_general3A_10 = tpu.matmul %get3A_8, %dot_general3A_5, %dot_general3A_9 {dimension_numbers = #tpu.dot_dimension_numbers<[0], [0], [1], [1], [0, 1, 1, 1], [], []>, transpose_lhs_hint = false} : vector<192x192xf32>, vector<192x21xf32>, vector<192x21xf32> -> vector<192x21xf32>
    %reduce_max3A = arith.constant dense<0xFF800000> : vector<192xf32>
    %reduce_max3A_11 = vector.multi_reduction <maximumf>, %dot_general3A_10, %reduce_max3A [1] : vector<192x21xf32> to vector<192xf32>
    %broadcast_in_dim3A = vector.shape_cast %reduce_max3A_11 : vector<192xf32> to vector<192x1xf32>
    %sub3A = vector.broadcast %broadcast_in_dim3A : vector<192x1xf32> to vector<192x21xf32>
    %sub3A_12 = arith.subf %dot_general3A_10, %sub3A : vector<192x21xf32>
    %exp3A = math.exp %sub3A_12 : vector<192x21xf32>
    %reduce_sum3A = arith.constant dense<0.000000e+00> : vector<192xf32>
    %reduce_sum3A_13 = vector.multi_reduction <add>, %exp3A, %reduce_sum3A [1] : vector<192x21xf32> to vector<192xf32>
    %broadcast_in_dim3A_14 = vector.shape_cast %reduce_sum3A_13 : vector<192xf32> to vector<192x1xf32>
    %div3A = vector.broadcast %broadcast_in_dim3A_14 : vector<192x1xf32> to vector<192x21xf32>
    %div3A_15 = arith.divf %exp3A, %div3A : vector<192x21xf32>
    %dot_general3A_16 = arith.constant dense<0.000000e+00> : vector<192x192xf32>
    %dot_general3A_17 = tpu.matmul %dot_general3A_10, %div3A_15, %dot_general3A_16 {dimension_numbers = #tpu.dot_dimension_numbers<[1], [1], [0], [0], [0, 0, 1, 0], [], []>, transpose_lhs_hint = false} : vector<192x21xf32>, vector<192x21xf32>, vector<192x192xf32> -> vector<192x192xf32>
    %swap3A = arith.constant 0 : index
    %swap3A_18 = arith.constant 0 : index
    %swap3A_19 = vector.load %arg3[%swap3A, %swap3A_18] : memref<192x192xf32, #tpu.memory_space<vmem>>, vector<192x192xf32>
    tpu.vector_store %arg3[%swap3A, %swap3A_18], %dot_general3A_17 {strides = array<i32>} : memref<192x192xf32, #tpu.memory_space<vmem>>, vector<192x192xf32>,
    return
  }
}

module attributes {stable_mosaic.version = 14 : i64} {
  func.func @_fmam_kernel(%arg0: i32, %arg1: memref<192x3584xf32, #tpu.memory_space<vmem>>, %arg2: memref<192x3584xf32, #tpu.memory_space<vmem>>, %arg3: memref<192x192xf32, #tpu.memory_space<vmem>>, %arg4: memref<192x192xf32, #tpu.memory_space<vmem>>, %arg5: memref<192x1xf32, #tpu.memory_space<vmem>>, %arg6: memref<192x2xf32, #tpu.memory_space<vmem>>, %arg7: memref<192x3584xf32, #tpu.memory_space<vmem>>) attributes {dimension_semantics = [#tpu.dimension_semantics<arbitrary>], iteration_bounds = array<i64: 14>, scalar_prefetch = 0 : i64, scratch_operands = 0 : i64, tpu.core_type = #tpu.core_type<tc>, window_params = [{transform_indices = @transform_0, window_bounds = array<i64: 192, 3584>}, {transform_indices = @transform_1, window_bounds = array<i64: 192, 3584>}, {pipeline_mode = #tpu.pipeline_mode<synchronous>, transform_indices = @transform_2, window_bounds = array<i64: 192, 192>}, {pipeline_mode = #tpu.pipeline_mode<synchronous>, transform_indices = @transform_3, window_bounds = array<i64: 192, 192>}, {pipeline_mode = #tpu.pipeline_mode<synchronous>, transform_indices = @transform_4, window_bounds = array<i64: 192, 1>}, {pipeline_mode = #tpu.pipeline_mode<synchronous>, transform_indices = @transform_5, window_bounds = array<i64: 192, 2>}, {transform_indices = @transform_6, window_bounds = array<i64: 192, 3584>}]} {
    %get3A = arith.constant 0 : index
    %get3A_0 = arith.constant 0 : index
    %get3A_1 = vector.load %arg1[%get3A, %get3A_0] : memref<192x3584xf32, #tpu.memory_space<vmem>>, vector<192x3584xf32>
    %get3A_2 = arith.constant 0 : index
    %get3A_3 = arith.constant 0 : index
    %get3A_4 = vector.load %arg4[%get3A_2, %get3A_3] : memref<192x192xf32, #tpu.memory_space<vmem>>, vector<192x192xf32>
    %dot_general3A = arith.constant dense<0.000000e+00> : vector<192x3584xf32>
    %dot_general3A_5 = tpu.matmul %get3A_4, %get3A_1, %dot_general3A {dimension_numbers = #tpu.dot_dimension_numbers<[0], [0], [1], [1], [0, 1, 1, 1], [], []>, transpose_lhs_hint = false} : vector<192x192xf32>, vector<192x3584xf32>, vector<192x3584xf32> -> vector<192x3584xf32>
    %get3A_6 = arith.constant 0 : index
    %get3A_7 = arith.constant 0 : index
    %get3A_8 = vector.load %arg5[%get3A_6, %get3A_7] : memref<192x1xf32, #tpu.memory_space<vmem>>, vector<192x1xf32>
    %add3A = vector.broadcast %get3A_8 : vector<192x1xf32> to vector<192x3584xf32>
    %add3A_9 = arith.addf %dot_general3A_5, %add3A : vector<192x3584xf32>
    %reduce_max3A = arith.constant dense<0xFF800000> : vector<3584xf32>
    %reduce_max3A_10 = vector.multi_reduction <maximumf>, %add3A_9, %reduce_max3A [0] : vector<192x3584xf32> to vector<3584xf32>
    %broadcast_in_dim3A = vector.shape_cast %reduce_max3A_10 : vector<3584xf32> to vector<1x3584xf32>
    %sub3A = vector.broadcast %broadcast_in_dim3A : vector<1x3584xf32> to vector<192x3584xf32>
    %sub3A_11 = arith.subf %add3A_9, %sub3A : vector<192x3584xf32>
    %exp3A = math.exp %sub3A_11 : vector<192x3584xf32>
    %reduce_sum3A = arith.constant dense<0.000000e+00> : vector<3584xf32>
    %reduce_sum3A_12 = vector.multi_reduction <add>, %exp3A, %reduce_sum3A [0] : vector<192x3584xf32> to vector<3584xf32>
    %broadcast_in_dim3A_13 = vector.shape_cast %reduce_sum3A_12 : vector<3584xf32> to vector<1x3584xf32>
    %div3A = vector.broadcast %broadcast_in_dim3A_13 : vector<1x3584xf32> to vector<192x3584xf32>
    %div3A_14 = arith.divf %exp3A, %div3A : vector<192x3584xf32>
    %get3A_15 = arith.constant 0 : index
    %get3A_16 = arith.constant 0 : index
    %get3A_17 = vector.load %arg3[%get3A_15, %get3A_16] : memref<192x192xf32, #tpu.memory_space<vmem>>, vector<192x192xf32>
    %dot_general3A_18 = arith.constant dense<0.000000e+00> : vector<192x3584xf32>
    %dot_general3A_19 = tpu.matmul %get3A_17, %div3A_14, %dot_general3A_18 {dimension_numbers = #tpu.dot_dimension_numbers<[0], [0], [1], [1], [0, 1, 1, 1], [], []>, transpose_lhs_hint = false} : vector<192x192xf32>, vector<192x3584xf32>, vector<192x3584xf32> -> vector<192x3584xf32>
    %get3A_20 = arith.constant 0 : index
    %get3A_21 = arith.constant 0 : index
    %get3A_22 = vector.load %arg6[%get3A_20, %get3A_21] : memref<192x2xf32, #tpu.memory_space<vmem>>, vector<192x1xf32>
    %get3A_23 = arith.constant 0 : index
    %get3A_24 = arith.constant 1 : index
    %get3A_25 = vector.load %arg6[%get3A_23, %get3A_24] : memref<192x2xf32, #tpu.memory_space<vmem>>, vector<192x1xf32>
    %get3A_26 = arith.constant 0 : index
    %get3A_27 = arith.constant 0 : index
    %get3A_28 = vector.load %arg2[%get3A_26, %get3A_27] : memref<192x3584xf32, #tpu.memory_space<vmem>>, vector<192x3584xf32>
    %mul3A = vector.broadcast %get3A_22 : vector<192x1xf32> to vector<192x3584xf32>
    %mul3A_29 = arith.mulf %get3A_28, %mul3A : vector<192x3584xf32>
    %mul3A_30 = vector.broadcast %get3A_25 : vector<192x1xf32> to vector<192x3584xf32>
    %mul3A_31 = arith.mulf %dot_general3A_19, %mul3A_30 : vector<192x3584xf32>
    %add3A_32 = arith.addf %mul3A_29, %mul3A_31 : vector<192x3584xf32>
    %swap3A = arith.constant 0 : index
    %swap3A_33 = arith.constant 0 : index
    %swap3A_34 = vector.load %arg7[%swap3A, %swap3A_33] : memref<192x3584xf32, #tpu.memory_space<vmem>>, vector<192x3584xf32>
    tpu.vector_store %arg7[%swap3A, %swap3A_33], %add3A_32 {strides = array<i32>} : memref<192x3584xf32, #tpu.memory_space<vmem>>, vector<192x3584xf32>,
    return
  }
  func.func @transform_0(%arg0: i32) -> (i32, i32) {
    %c0_i32 = arith.constant 0 : i32
    %c0_i32_0 = arith.constant 0 : i32
    return %c0_i32, %arg0 : i32, i32
  }
  func.func @transform_1(%arg0: i32) -> (i32, i32) {
    %c0_i32 = arith.constant 0 : i32
    %c0_i32_0 = arith.constant 0 : i32
    return %c0_i32, %arg0 : i32, i32
  }
  func.func @transform_2(%arg0: i32) -> (i32, i32) {
    %c0_i32 = arith.constant 0 : i32
    %c0_i32_0 = arith.constant 0 : i32
    %c0_i32_1 = arith.constant 0 : i32
    return %c0_i32, %c0_i32_0 : i32, i32
  }
  func.func @transform_3(%arg0: i32) -> (i32, i32) {
    %c0_i32 = arith.constant 0 : i32
    %c0_i32_0 = arith.constant 0 : i32
    %c0_i32_1 = arith.constant 0 : i32
    return %c0_i32, %c0_i32_0 : i32, i32
  }
  func.func @transform_4(%arg0: i32) -> (i32, i32) {
    %c0_i32 = arith.constant 0 : i32
    %c0_i32_0 = arith.constant 0 : i32
    %c0_i32_1 = arith.constant 0 : i32
    return %c0_i32, %c0_i32_0 : i32, i32
  }
  func.func @transform_5(%arg0: i32) -> (i32, i32) {
    %c0_i32 = arith.constant 0 : i32
    %c0_i32_0 = arith.constant 0 : i32
    %c0_i32_1 = arith.constant 0 : i32
    return %c0_i32, %c0_i32_0 : i32, i32
  }
  func.func @transform_6(%arg0: i32) -> (i32, i32) {
    %c0_i32 = arith.constant 0 : i32
    %c0_i32_0 = arith.constant 0 : i32
    return %c0_i32, %arg0 : i32, i32
  }
}

</mosaic_0001>

<sc_bundles>
// kernel: sparse-core-data-format-call.1.cloned.1.call-start
scs
called_computation.1_lowered:
.L_overlay_start_0:
0x0: {  	s1 =	sld [smem:$0x3FD9]  }
0x1: {  	s2 =	sld [smem:$0x3FFE];
	_ =	sdelay $0x1  }
0x2: {  	s3 =	srdreg.scid  }
0x3: {  	s0 =	sand.u32 $0x1, s3  }
0x4: {  	s17 =	sshll.u32 s0, $0xA;
	s1 =	sadd.s32 s2, s1  }
0x5: {  	s1 =	sadd.s32 s1, s17  }
0x6: {  	[smem:$0x3FBF] =	sst s1  }
0x7: {  	_ = 	snop  }
0x8: {  	(tm) =	ssettm $0x1  }
0x9: {  	s18 =	sld [smem:$0x3FFB];
	_ =	sdelay $0x3  }
0xa: {  	_ =	strace s18  }
0xb: {  	s1 =	sld [smem:$0x3FFC];
	_ =	sdelay $0x3  }
0xc: {  	_ =	strace s1  }
0xd: {  	s1 =	sld [smem:$0x3FFD];
	_ =	sdelay $0x3  }
0xe: {  	_ =	strace s1  }
0xf: {  	_ =	strace $0x8FFFFFFF  }
0x10: {  	s19 =	sld [smem:$0x3FDB];
	_ =	sdelay $0x1  }
0x11: {  	s20 =	simm.s32 $_scs_section_size  }
0x12: {  	s4 =	simm.s32 $_size__tile_overlayer_lowered;
	s5 =	simm.s32 $_tile_overlayer_lowered  }
0x13: {  	s23 =	simm.s32 $0x1BFF;
	s22 =	sshll.u32 s5, $0x1;
	s1 =	sadd.s32 s20, s19  }
0x14: {  	s6 =	simm.s32 $0x0;
	s21 =	sshll.u32 s4, $0x1;
	s4 =	sadd.s32 s22, s1  }
0x15: {  	[timem:s6], [sflag:s23] =	dma.local [hbm:s4], s21  }
0x16: {  	_ =	swait.ge [sflag:s23], s21  }
0x17: {  	s2 =	ssub.s32 $0x0, s21;
	[sflag:s23] =	ssyncset.done $0x0  }
0x18: {  	[sflag:s23] =	ssyncadd.s32 s2;
	_ =	sdelay $0x1  }
0x19: {  	s24 =	simm.s32 $0x1B8B  }
0x1a: {  	_ =	swait.ge [sflag:s24], $0x1  }
0x1b: {  	[sflag:s24] =	ssyncset.done $0x0  }
0x1c: {  	s26 =	simm.s32 $0x1B8E;
	s25 =	sld [smem:$0x3FFE];
	[sflag:s24] =	ssyncadd.s32 $0xFFFFFFFF  }
0x1d: {  	s27 =	simm.s32 $execute0_lowered;
	[smem:$0x3FD2] =	sst s26  }
0x1e: {  	s4 =	sshll.u32 s27, $0x1;
	_ =	strace $0x80000046;
	[dreg:$0x1] =	wrdreg $0xFFFFFFFF  }
0x1f: {  	s28 =	simm.s32 $_size_execute0_lowered;
	s1 =	sadd.s32 s1, s4;
	[dreg:$0x0] =	wrdreg $0x0  }
0x20: {  	s4 =	sshll.u32 s28, $0x1;
	[dreg:$0x2] =	wrdreg s1  }
0x21: {  	[dreg:$0x3] =	wrdreg s4  }
0x22: {  	[dreg:$0x4] =	wrdreg $0xC0  }
0x23: {  	_ =	task [dreg:s6], $0x5FFFF  }
0x24: {  	[dreg:$0x1] =	wrdreg $0xFFFFFFFF  }
0x25: {  	[dreg:$0x0] =	wrdreg $0x60  }
0x26: {  	[dreg:$0x2] =	wrdreg s25  }
0x27: {  	[dreg:$0x3] =	wrdreg $0x9  }
0x28: {  	_ =	task.clear_ibuf [dreg:s6], $0x4FFFF;
	_ =	strace $0x90000046  }
0x29: {  	s29 =	simm.s32 $0x9;
	_ =	strace $0x80000048  }
0x2a: {  	_ =	swait.ge [sflag:s29], $0x1  }
0x2b: {  	[sflag:s29] =	ssyncadd.s32 $0xFFFFFFFF  }
0x2c: {  	_ =	strace $0x90000048  }
0x2d: {  	_ =	sfence  }
0x2e: {  	s30 =	sld [smem:$0x0];
	_ =	sdelay $0x2  }
0x2f: {  	s31 =	sshll.u32 s3, $0xD;
	s3 =	sshrl.u32 s3, $0x2  }
0x30: {  	s2 =	sand.u32 $0x4000, s31;
	s1 =	sadd.s32 s3, s30  }
0x31: {  	s0 =	sor.u32 s2, s0;
	s1 =	sshll.u32 s1, $0x11  }
0x32: {  	s0 =	sor.u32 s1, s0  }
0x33: {  	s0 =	sadd.s32 $0x8F2B, s0  }
0x34: {  	[sflag:s0] =	ssyncadd.remote.s32 $0x1  }
0x35: {  	_ =	sfence.sel $0xFFFF  }
0x36: {  	[dreg:$0x0] =	wrdreg $0xFFFFFFFF;
	(pc) =	sbr.abs _section_cstart, $3  }
0x37: {  	[dreg:$0x1] =	wrdreg $0xFFFFFFFF  }
0x38: {  	_ =	task.clear_ibuf [dreg:s6], $0x2FFFF;
	_ =	strace $0x9FFFFFFF  }
0x39: {  	(tm) =	ssettm $0x7FFFFFFF  }
tec
execute0_lowered:
.L_overlay_start_1:
0x0: {  	(tag) =	ssettag $0x1  }
0x1: {  	s0 =	srdreg.scid  }
0x2: {  	s1 =	stileid.u32;
	s0 =	sshll.u32 s0, $0x4  }
0x3: {  	s0 =	sor.u32 s1, s0  }
0x4: {  	s0 =	sshrl.u32 s0, $0x2  }
0x5: {  	s5 =	rddreg [dreg:$0x0];
	_ =	strace $0x80000047;
	s6 =	sand.u32 $0x6, s0  }
0x6: {  	s29 =	simm.s32 $0x1;
	s31 =	simm.s32 $0x2;
	s0 =	ssub.s32 $0x8, s6  }
0x7: {  	s15 =	simm.s32 $0x0;
	s16 =	simm.s32 $0x0;
	s2 =	sand.u32 $0x6, s0  }
0x8: {  	s7 =	sand.u32 $0x7, s1;
	p0 =	sne.s32 s2, $0x0;
	s2 =	simm.s32 $0x1  }
0x9: {  	s4 =	ssub.s32 $0x23, s7;
	s0 =	sshrl.u32 s0, $0x3;
	s2 =	simm.s32 @!p0 $0x0  }
0xa: {  	s30 =	sadd.s32 $0x189C00, s5;
	s4 =	sshrl.u32 s4, $0x3;
	s0 =	sadd.s32 s2, s0  }
0xb: {  	s17 =	simm.s32 $0x0;
	[dreg:$0x6] =	wrdreg s30;
	s0 =	smul.u32 s0, s4  }
.Ltmp0:
0xc: {  	s8 =	sadd.s32 $0x1C00, s5;
	[dreg:$0x3] =	wrdreg s7;
	(pc) =	sbr.rel .LBB1_1-.Ltmp0, $4  }
0xd: {  	s11 =	simm.s32 $0x0;
	[dreg:$0x4] =	wrdreg s8;
	s9 =	smul.u32 $0x7, s0  }
0xe: {  	s14 =	simm.s32 $0x0;
	[sflag:s29] =	ssyncpa.u1 $0x0;
	[dreg:$0x2] =	wrdreg s6  }
0xf: {  	[sflag:s31] =	ssyncpa.u1 $0x0;
	s10 =	sadd.s32 $0x1, s9;
	[dreg:$0x5] =	wrdreg s9  }
0x10: {  	s13 =	smov.u32 s7;
	s12 =	smov.u32 s6;
	[dreg:$0x7] =	wrdreg s10  }
.LBB1_9:
0x11: {  	s0 =	sadd.s32 $0x4, s11  }
0x12: {  	s1 =	sadd.s32 $0x8, s12;
	s2 =	smov.u32 s12;
	p1 =	sgt.s32 s0, $0x1B  }
0x13: {  	s2 =	smov.u32 @p1 s1  }
0x14: {  	s3 =	sadd.s32 $0x8, s13;
	s4 =	smov.u32 s13;
	p2 =	sgt.s32 s2, $0x7  }
0x15: {  	s4 =	smov.u32 @p2 s3  }
0x16: {  	s0 =	simm.s32 @p1 $0x0;
	p1 =	sgt.s32 s4, $0x1B  }
0x17: {  	p0 =	slt.u32 s14, $0x2;
	s4 =	smov.u32 @p1 s7;
	p1 =	sne.s32 s14, s10  }
.Ltmp1:
0x18: {  	s1 =	simm.s32 @!p0 $0x2;
	(pc) =	sbr.rel @!p1 .LBB1_10-.Ltmp1, $4  }
0x19: {  	s15 =	smov.u32 s11;
	_ =	swait.ge @!p0 [sflag:s1], $0x4000  }
0x1a: {  	s16 =	smov.u32 s12;
	s17 =	smov.u32 s13;
	[sflag:s1] =	ssyncset.done @!p0 $0x0  }
0x1b: {  	s11 =	smov.u32 s0;
	s2 =	smov.u32 @p2 s6;
	[sflag:s1] =	ssyncadd.s32 @!p0 $0xFFFFC000  }
0x1c: {  	s12 =	smov.u32 s2;
	s14 =	sadd.s32 $0x1, s14;
	s13 =	smov.u32 s4  }
.LBB1_1:
0x1d: {  	p0 =	sge.u32 s14, s9  }
0x1e: {  	s0 =	smul.u32 @!p0 $0xE000, s13  }
0x1f: {  	s2 =	sxor.u32 @!p0 $0xFFFFFFFF, s14;
	s4 =	smul.u32 @!p0 $0x1C00, s12  }
0x20: {  	s31 =	sadd.s32 $0xFFFFFFFF, s14;
	s2 =	sshll.u32 @!p0 s2, $0xE;
	s0 =	sadd.s32 @!p0 s8, s0  }
0x21: {  	s5 =	sshll.u32 @!p0 s11, $0x8;
	s2 =	sand.u32 @!p0 $0x4000, s2;
	s0 =	sadd.s32 @!p0 s4, s0  }
0x22: {  	s4 =	simm.s32 @!p0 $0x2000;
	s0 =	sadd.s32 @!p0 s5, s0;
	s5 =	simm.s32 @!p0 $0xE000  }
0x23: {  	[tilespmem:s2], [sflag:$0x1] =	stream.strided.gather @!p0 [hbm4b:s0+s4], $0x4000, s5, s4, $0x38;
	[tilespmem:$0x10000] =	vst v63  }
0x24: {  	p0 =	sge.u32 s31, s9  }
.Ltmp2:
0x25: {  	_ = 	snop;
	(pc) =	sbr.rel @p0 .LBB1_9-.Ltmp2, $1  }
0x26: {  	_ =	sdelay $0x3  }
0x27: {  	s1 =	simm.s32 $0x1  }
0x28: {  	s0 =	sshll.u32 s14, $0xE;
	_ =	swait.ge [sflag:s1], $0x4000  }
0x29: {  	p1 =	por $0x1, $0x1;
	s19 =	sand.u32 $0x4000, s0;
	[sflag:s1] =	ssyncset.done $0x0  }
0x2a: {  	s0 =	simm.s32 $0x0;
	s18 =	sor.u32 $0x8000, s19;
	[sflag:s1] =	ssyncadd.s32 $0xFFFFC000  }
.LBB1_3:
0x2b: {  	s2 =	sshll.u32 s0, $0xD;
	s31 =	sshll.u32 s0, $0xB  }
0x2c: {  	p0 =	por p1, p1;
	s2 =	sand.u32 $0x3FFFE000, s2;
	s0 =	sand.u32 $0x3FFFF800, s31  }
0x2d: {  	s22 =	simm.s32 $0x0;
	s20 =	sadd.s32 s2, s19;
	s21 =	sadd.s32 s0, s18  }
.LBB1_4:
0x2e: {  	s0 =	sshll.u32 s22, $0xC  }
0x2f: {  	s2 =	sshll.u32 s22, $0xB;
	s4 =	simm.s32 $0x410;
	s1 =	simm.s32 $0x470  }
0x30: {  	s6 =	simm.s32 $0x460;
	s8 =	simm.s32 $0x450;
	s0 =	sand.u32 $0x3FFFF000, s0  }
0x31: {  	s2 =	sand.u32 $0x3FFFF800, s2;
	s10 =	sand.u32 $0x700, s4;
	s25 =	sand.u32 $0x90, s4  }
0x32: {  	s3 =	sand.u32 $0xF0, s1;
	s4 =	sand.u32 $0x700, s1;
	s23 =	sadd.s32 s0, s21  }
0x33: {  	s9 =	sand.u32 $0x700, s6;
	s24 =	sadd.s32 s2, s20;
	s26 =	sadd.s32 s10, s23  }
0x34: {  	s0 =	sadd.s32 s10, s24;
	s7 =	sadd.s32 s4, s24;
	s2 =	sadd.s32 s4, s23  }
0x35: {  	s10 =	sand.u32 $0xE0, s6;
	s1 =	sadd.s32 s9, s23;
	s9 =	sadd.s32 s9, s24  }
0x36: {  	s26 =	sadd.s32 s25, s26;
	s5 =	sadd.s32 s25, s0;
	s25 =	sadd.s32 s3, s7  }
0x37: {  	s27 =	sadd.s32 s3, s2;
	s3 =	sand.u32 $0x700, s8;
	s28 =	sadd.s32 s10, s1  }
0x38: {  	s0 =	sand.u32 $0xD0, s8;
	s8 =	sadd.s32 s10, s9;
	s10 =	simm.s32 $0x440  }
0x39: {  	s6 =	sadd.s32 s3, s23;
	s7 =	sadd.s32 s3, s24;
	s4 =	sand.u32 $0xC0, s10  }
0x3a: {  	s1 =	sand.u32 $0x700, s10;
	s3 =	simm.s32 $0x430;
	v2 =	vld [tilespmem:s25+$0x0];
	s25 =	simm.s32 $0x490  }
0x3b: {  	s29 =	sadd.s32 s0, s6;
	s2 =	sadd.s32 s0, s7;
	s6 =	sadd.s32 s1, s24  }
0x3c: {  	s9 =	sadd.s32 s1, s23;
	s10 =	sand.u32 $0x700, s3;
	s1 =	sand.u32 $0xB0, s3  }
0x3d: {  	s0 =	sadd.s32 s4, s6;
	s30 =	sadd.s32 s4, s9;
	s9 =	simm.s32 $0x420  }
0x3e: {  	v1 =	vld [tilespmem:s5+$0x0];
	s3 =	sadd.s32 s10, s23;
	s10 =	sadd.s32 s10, s24;
	s4 =	simm.s32 $0x0  }
0x3f: {  	s6 =	sand.u32 $0x700, s9;
	s31 =	sadd.s32 s1, s3;
	s9 =	sand.u32 $0xA0, s9  }
0x40: {  	v0 =	vld [tilespmem:s8+$0x0];
	s10 =	sadd.s32 s1, s10;
	s7 =	sadd.s32 s6, s23;
	s5 =	sadd.s32 s6, s24  }
.LBB1_5:
0x41: {  	p1 =	sne.s32 s25, $0x790;
	s1 =	sand.u32 $0x300, s4;
	s7 =	sadd.s32 s9, s7;
	v3 =	vld [tilespmem:s2+$0x0]  }
0x42: {  	s2 =	sadd.s32 s1, s24;
	s8 =	sadd.s32 s1, s23;
	s1 =	sor.u32 $0x400, s1;
	v4 =	vld [tilespmem:s0+$0x0]  }
0x43: {  	s5 =	sadd.s32 s9, s5;
	s0 =	sand.u32 $0x80, s4;
	s4 =	sadd.s32 s1, s24;
	[tilespmem:s26+$0x0] =	vst v1;
	v1 =	vld [tilespmem:s10+$0x0]  }
0x44: {  	s9 =	sor.u32 $0x10, s0;
	s10 =	sor.u32 $0x20, s0;
	s4 =	sadd.s32 s0, s4;
	v5 =	vld [tilespmem:s5+$0x0];
	[tilespmem:s27+$0x0] =	vst v2  }
0x45: {  	s26 =	sor.u32 $0x40, s0;
	s5 =	sor.u32 $0x30, s0;
	s27 =	sor.u32 $0x50, s0;
	v2 =	vld [tilespmem:s4+$0x0];
	[tilespmem:s28+$0x0] =	vst v0  }
0x46: {  	s3 =	sor.u32 $0x70, s0;
	s4 =	sadd.s32 s0, s2;
	s28 =	sor.u32 $0x60, s0;
	[tilespmem:s29+$0x0] =	vst v3  }
0x47: {  	s6 =	sadd.s32 s5, s2;
	s29 =	sadd.s32 s10, s2;
	v0 =	vld [tilespmem:s4+$0x0];
	s4 =	sadd.s32 s9, s2;
	[tilespmem:s30+$0x0] =	vst v4  }
0x48: {  	s1 =	sadd.s32 s1, s23;
	s30 =	sadd.s32 s27, s2;
	v3 =	vld [tilespmem:s4+$0x0];
	s4 =	sadd.s32 s26, s2;
	[tilespmem:s31+$0x0] =	vst v1  }
0x49: {  	s1 =	sadd.s32 s0, s1;
	v1 =	vld [tilespmem:s29+$0x0];
	s29 =	sadd.s32 s28, s2;
	s2 =	sadd.s32 s3, s2;
	[tilespmem:s7+$0x0] =	vst v5  }
0x4a: {  	s0 =	sadd.s32 s0, s8;
	s7 =	sadd.s32 s9, s8;
	s9 =	sadd.s32 s10, s8;
	v4 =	vld [tilespmem:s6+$0x0];
	[tilespmem:s1+$0x0] =	vst v2  }
0x4b: {  	s1 =	sadd.s32 s5, s8;
	s5 =	sadd.s32 s27, s8;
	v2 =	vld [tilespmem:s4+$0x0];
	s4 =	sadd.s32 s26, s8  }
0x4c: {  	s3 =	sadd.s32 s3, s8;
	s6 =	sand.u32 $0x700, s25;
	[tilespmem:s0+$0x0] =	vst v0;
	v0 =	vld [tilespmem:s30+$0x0];
	s0 =	sadd.s32 s28, s8  }
0x4d: {  	s10 =	sadd.s32 s6, s23;
	s6 =	sadd.s32 s6, s24;
	s8 =	sand.u32 $0x90, s25;
	[tilespmem:s7+$0x0] =	vst v3;
	v3 =	vld [tilespmem:s29+$0x0]  }
0x4e: {  	s26 =	sadd.s32 s8, s10;
	s7 =	sadd.s32 $0x60, s25;
	s6 =	sadd.s32 s8, s6;
	[tilespmem:s9+$0x0] =	vst v1;
	v1 =	vld [tilespmem:s2+$0x0]  }
0x4f: {  	s2 =	sand.u32 $0xF0, s7;
	s7 =	sand.u32 $0x700, s7;
	[tilespmem:s1+$0x0] =	vst v4;
	s1 =	sadd.s32 $0x50, s25  }
0x50: {  	s8 =	sadd.s32 s7, s24;
	s7 =	sadd.s32 s7, s23;
	[tilespmem:s4+$0x0] =	vst v2;
	s4 =	sand.u32 $0x700, s1  }
0x51: {  	s8 =	sadd.s32 s2, s8;
	s27 =	sadd.s32 s2, s7;
	s2 =	sadd.s32 $0x40, s25;
	[tilespmem:s5+$0x0] =	vst v0  }
0x52: {  	s1 =	sand.u32 $0xE0, s1;
	s5 =	sadd.s32 s4, s23;
	s4 =	sadd.s32 s4, s24;
	[tilespmem:s0+$0x0] =	vst v3  }
0x53: {  	s0 =	sand.u32 $0x700, s2;
	s28 =	sadd.s32 s1, s5;
	s2 =	sand.u32 $0xD0, s2;
	[tilespmem:s3+$0x0] =	vst v1  }
0x54: {  	s1 =	sadd.s32 s1, s4;
	s4 =	sadd.s32 $0x30, s25;
	s3 =	sadd.s32 s0, s23  }
0x55: {  	s5 =	sadd.s32 $0x20, s25;
	s0 =	sadd.s32 s0, s24;
	s29 =	sadd.s32 s2, s3  }
0x56: {  	s3 =	sand.u32 $0xC0, s4;
	s4 =	sand.u32 $0x700, s4;
	s2 =	sadd.s32 s2, s0  }
0x57: {  	s7 =	sand.u32 $0x700, s5;
	s0 =	sadd.s32 s4, s24;
	s4 =	sadd.s32 s4, s23  }
.Ltmp3:
0x58: {  	s0 =	sadd.s32 s3, s0;
	s30 =	sadd.s32 s3, s4;
	(pc) =	sbr.rel @p1 .LBB1_5-.Ltmp3, $4  }
0x59: {  	s3 =	sadd.s32 $0x10, s25;
	s4 =	sand.u32 $0xB0, s5;
	s5 =	sadd.s32 s7, s23  }
0x5a: {  	s10 =	sadd.s32 s7, s24;
	s31 =	sadd.s32 s4, s5;
	v1 =	vld [tilespmem:s6+$0x0];
	s6 =	sand.u32 $0x700, s3  }
0x5b: {  	s9 =	sand.u32 $0xA0, s3;
	s10 =	sadd.s32 s4, s10;
	s7 =	sadd.s32 s6, s23;
	v2 =	vld [tilespmem:s8+$0x0]  }
0x5c: {  	s4 =	sadd.s32 $0xFFFFFBF0, s25;
	s25 =	sadd.s32 $0x80, s25;
	s5 =	sadd.s32 s6, s24;
	v0 =	vld [tilespmem:s1+$0x0]  }
0x5d: {  	s1 =	sand.u32 $0x300, s4;
	v3 =	vld [tilespmem:s2+$0x0]  }
0x5e: {  	v4 =	vld [tilespmem:s0+$0x0];
	s25 =	sor.u32 $0x400, s1  }
0x5f: {  	s0 =	sand.u32 $0x80, s4;
	v54 =	vld [tilespmem:s10+$0x0];
	s3 =	sadd.s32 s25, s24;
	[tilespmem:s26+$0x0] =	vst v1;
	s26 =	sadd.s32 s9, s5  }
0x60: {  	s5 =	sadd.s32 s1, s24;
	s3 =	sadd.s32 s0, s3;
	v5 =	vld [tilespmem:s26+$0x0];
	[tilespmem:s27+$0x0] =	vst v2  }
0x61: {  	s4 =	sor.u32 $0x10, s0;
	s27 =	sadd.s32 s0, s5;
	v55 =	vld [tilespmem:s3+$0x0];
	[tilespmem:s28+$0x0] =	vst v0  }
0x62: {  	s6 =	sadd.s32 s9, s7;
	s7 =	sor.u32 $0x20, s0;
	v56 =	vld [tilespmem:s27+$0x0];
	s28 =	sadd.s32 s4, s5;
	[tilespmem:s29+$0x0] =	vst v3  }
0x63: {  	s8 =	sor.u32 $0x30, s0;
	s1 =	sadd.s32 s1, s23;
	s29 =	sadd.s32 s7, s5;
	[tilespmem:s30+$0x0] =	vst v4;
	v57 =	vld [tilespmem:s28+$0x0]  }
0x64: {  	s2 =	sadd.s32 s25, s23;
	s3 =	sor.u32 $0x40, s0;
	s30 =	sadd.s32 s8, s5;
	[tilespmem:s31+$0x0] =	vst v54;
	v58 =	vld [tilespmem:s29+$0x0]  }
0x65: {  	s25 =	sor.u32 $0x60, s0;
	s2 =	sadd.s32 s0, s2;
	s24 =	sadd.s32 s3, s5;
	v59 =	vld [tilespmem:s30+$0x0];
	[tilespmem:s6+$0x0] =	vst v5  }
0x66: {  	s27 =	sadd.s32 s0, s1;
	s31 =	sor.u32 $0x50, s0;
	s28 =	sadd.s32 s25, s5;
	v60 =	vld [tilespmem:s24+$0x0];
	[tilespmem:s2+$0x0] =	vst v55  }
0x67: {  	s4 =	sadd.s32 s4, s1;
	s0 =	sor.u32 $0x70, s0;
	s26 =	sadd.s32 s31, s5;
	v62 =	vld [tilespmem:s28+$0x0];
	[tilespmem:s27+$0x0] =	vst v56  }
0x68: {  	s22 =	sadd.s32 $0x1, s22;
	s7 =	sadd.s32 s7, s1;
	s5 =	sadd.s32 s0, s5;
	v61 =	vld [tilespmem:s26+$0x0];
	[tilespmem:s4+$0x0] =	vst v57  }
0x69: {  	p1 =	sne.s32 s22, $0x4;
	s29 =	sadd.s32 s8, s1;
	v63 =	vld [tilespmem:s5+$0x0];
	[tilespmem:s7+$0x0] =	vst v58  }
.Ltmp4:
0x6a: {  	s3 =	sadd.s32 s3, s1;
	[tilespmem:s29+$0x0] =	vst v59;
	(pc) =	sbr.rel @p1 .LBB1_4-.Ltmp4, $4  }
0x6b: {  	s30 =	sadd.s32 s31, s1;
	s31 =	sadd.s32 s25, s1;
	[tilespmem:s3+$0x0] =	vst v60  }
0x6c: {  	[tilespmem:s31+$0x0] =	vst v62  }
0x6d: {  	s0 =	sadd.s32 s0, s1;
	[tilespmem:s30+$0x0] =	vst v61  }
0x6e: {  	[tilespmem:s0+$0x0] =	vst v63  }
.Ltmp5:
0x6f: {  	(pc) =	sbr.rel @p0 .LBB1_3-.Ltmp5, $2  }
0x70: {  	_ =	sdelay $0x2  }
0x71: {  	s0 =	simm.s32 $0x1;
	p1 =	por $0x0, $0x0  }
0x72: {  	s2 =	rddreg [dreg:$0x6]  }
0x73: {  	s0 =	smul.u32 $0xE000, s17;
	s6 =	rddreg [dreg:$0x2]  }
.Ltmp6:
0x74: {  	s1 =	sshll.u32 s16, $0x8;
	s7 =	rddreg [dreg:$0x3];
	(pc) =	sbr.rel .LBB1_9-.Ltmp6, $4  }
0x75: {  	s29 =	sshll.u32 s15, $0xB;
	s8 =	rddreg [dreg:$0x4];
	s0 =	sadd.s32 s2, s0  }
0x76: {  	s30 =	simm.s32 $0x1000;
	s9 =	rddreg [dreg:$0x5];
	s0 =	sadd.s32 s1, s0  }
0x77: {  	s31 =	simm.s32 $0x4000;
	s10 =	rddreg [dreg:$0x7];
	s0 =	sadd.s32 s29, s0  }
0x78: {  	[hbm4b:s0+s30] =	stream.strided.scatter [tilespmem:s18], [sflag:$0x2], $0x4000, s31, s30, $0x38;
	[tilespmem:$0x10000] =	vst v63  }
.LBB1_10:
0x79: {  	_ =	sfence.sel $0x180000  }
0x7a: {  	s0 =	simm.s32 $0x1;
	[bflag:$0x0] =	sbarrier.arrive $0xFFFF  }
0x7b: {  	s30 =	simm.s32 $0x2;
	[sflag:s0] =	ssyncpa.u1 $0x1  }
0x7c: {  	[sflag:s30] =	ssyncpa.u1 $0x1  }
0x7d: {  	_ =	strace $0x90000047  }
0x7e: {  	s31 =	stileid.u32;
	[bflag:$0x2] =	sbarrier.arrive $0xFFFF  }
0x7f: {  	p0 =	sne.s32 s31, $0x0;
	s0 =	rddreg [dreg:$0x1]  }
0x80: {  	s0 =	sadd.s32 @!p0 $0x100000, s0  }
0x81: {  	[sflag:s0] =	ssyncadd.tile.s32 @!p0 $0x1;
	_ =	shalt  }
.Lfunc_end1:
_tile_overlayer_lowered:
.L_overlay_start_2:
0x82: {  	(tag) =	ssettag $0x2  }
0x83: {  	s0 =	rddreg [dreg:$0x0];
	s2 =	stileid.u32  }
0x84: {  	s1 =	rddreg [dreg:$0x1];
	p0 =	sne.s32 s2, $0x0  }
0x85: {  	s3 =	rddreg [dreg:$0x2];
	[bflag:$0x3] =	sbarrier.arrive $0xFFFF;
	s2 =	simm.s32 @!p0 $0x1C01  }
0x86: {  	[timem:s3], [sflag:s2] =	dma.local @!p0 [hbm:s0], s1  }
0x87: {  	s0 =	simm.s32 @!p0 $0x1  }
0x88: {  	_ =	swait.ge @!p0 [sflag:s0], s1  }
0x89: {  	s1 =	ssub.s32 @!p0 $0x0, s1;
	[sflag:s0] =	ssyncset.done @!p0 $0x0  }
0x8a: {  	[sflag:s0] =	ssyncadd.s32 @!p0 s1  }
0x8b: {  	[bflag:$0x3] =	sbarrier.arrive $0xFFFF  }
0x8c: {  	_ =	shalt  }

// kernel: sparse-core-data-format-call.cloned.1.call-start
scs
called_computation_lowered:
.L_overlay_start_0:
0x0: {  	s1 =	sld [smem:$0x3FD9]  }
0x1: {  	s2 =	sld [smem:$0x3FFE];
	_ =	sdelay $0x1  }
0x2: {  	s3 =	srdreg.scid  }
0x3: {  	s0 =	sand.u32 $0x1, s3  }
0x4: {  	s17 =	sshll.u32 s0, $0xA;
	s1 =	sadd.s32 s2, s1  }
0x5: {  	s1 =	sadd.s32 s1, s17  }
0x6: {  	[smem:$0x3FBF] =	sst s1  }
0x7: {  	_ = 	snop  }
0x8: {  	(tm) =	ssettm $0x1  }
0x9: {  	s18 =	sld [smem:$0x3FFB];
	_ =	sdelay $0x3  }
0xa: {  	_ =	strace s18  }
0xb: {  	s1 =	sld [smem:$0x3FFC];
	_ =	sdelay $0x3  }
0xc: {  	_ =	strace s1  }
0xd: {  	s1 =	sld [smem:$0x3FFD];
	_ =	sdelay $0x3  }
0xe: {  	_ =	strace s1  }
0xf: {  	_ =	strace $0x8FFFFFFF  }
0x10: {  	s19 =	sld [smem:$0x3FDB];
	_ =	sdelay $0x1  }
0x11: {  	s20 =	simm.s32 $_scs_section_size  }
0x12: {  	s4 =	simm.s32 $_size__tile_overlayer_lowered;
	s5 =	simm.s32 $_tile_overlayer_lowered  }
0x13: {  	s23 =	simm.s32 $0x1BFF;
	s22 =	sshll.u32 s5, $0x1;
	s1 =	sadd.s32 s20, s19  }
0x14: {  	s6 =	simm.s32 $0x0;
	s21 =	sshll.u32 s4, $0x1;
	s4 =	sadd.s32 s22, s1  }
0x15: {  	[timem:s6], [sflag:s23] =	dma.local [hbm:s4], s21  }
0x16: {  	_ =	swait.ge [sflag:s23], s21  }
0x17: {  	s2 =	ssub.s32 $0x0, s21;
	[sflag:s23] =	ssyncset.done $0x0  }
0x18: {  	[sflag:s23] =	ssyncadd.s32 s2;
	_ =	sdelay $0x1  }
0x19: {  	s24 =	simm.s32 $0x1B8B  }
0x1a: {  	_ =	swait.ge [sflag:s24], $0x1  }
0x1b: {  	[sflag:s24] =	ssyncset.done $0x0  }
0x1c: {  	s26 =	simm.s32 $0x1B8E;
	s25 =	sld [smem:$0x3FFE];
	[sflag:s24] =	ssyncadd.s32 $0xFFFFFFFF  }
0x1d: {  	s27 =	simm.s32 $execute0_lowered;
	[smem:$0x3FD2] =	sst s26  }
0x1e: {  	s4 =	sshll.u32 s27, $0x1;
	_ =	strace $0x80000049;
	[dreg:$0x1] =	wrdreg $0xFFFFFFFF  }
0x1f: {  	s28 =	simm.s32 $_size_execute0_lowered;
	s1 =	sadd.s32 s1, s4;
	[dreg:$0x0] =	wrdreg $0x0  }
0x20: {  	s4 =	sshll.u32 s28, $0x1;
	[dreg:$0x2] =	wrdreg s1  }
0x21: {  	[dreg:$0x3] =	wrdreg s4  }
0x22: {  	[dreg:$0x4] =	wrdreg $0xC0  }
0x23: {  	_ =	task [dreg:s6], $0x5FFFF  }
0x24: {  	[dreg:$0x1] =	wrdreg $0xFFFFFFFF  }
0x25: {  	[dreg:$0x0] =	wrdreg $0x60  }
0x26: {  	[dreg:$0x2] =	wrdreg s25  }
0x27: {  	[dreg:$0x3] =	wrdreg $0x9  }
0x28: {  	_ =	task.clear_ibuf [dreg:s6], $0x4FFFF;
	_ =	strace $0x90000049  }
0x29: {  	s29 =	simm.s32 $0x9;
	_ =	strace $0x8000004B  }
0x2a: {  	_ =	swait.ge [sflag:s29], $0x1  }
0x2b: {  	[sflag:s29] =	ssyncadd.s32 $0xFFFFFFFF  }
0x2c: {  	_ =	strace $0x9000004B  }
0x2d: {  	_ =	sfence  }
0x2e: {  	s30 =	sld [smem:$0x0];
	_ =	sdelay $0x2  }
0x2f: {  	s31 =	sshll.u32 s3, $0xD;
	s3 =	sshrl.u32 s3, $0x2  }
0x30: {  	s2 =	sand.u32 $0x4000, s31;
	s1 =	sadd.s32 s3, s30  }
0x31: {  	s0 =	sor.u32 s2, s0;
	s1 =	sshll.u32 s1, $0x11  }
0x32: {  	s0 =	sor.u32 s1, s0  }
0x33: {  	s0 =	sadd.s32 $0x8F2B, s0  }
0x34: {  	[sflag:s0] =	ssyncadd.remote.s32 $0x1  }
0x35: {  	_ =	sfence.sel $0xFFFF  }
0x36: {  	[dreg:$0x0] =	wrdreg $0xFFFFFFFF;
	(pc) =	sbr.abs _section_cstart, $3  }
0x37: {  	[dreg:$0x1] =	wrdreg $0xFFFFFFFF  }
0x38: {  	_ =	task.clear_ibuf [dreg:s6], $0x2FFFF;
	_ =	strace $0x9FFFFFFF  }
0x39: {  	(tm) =	ssettm $0x7FFFFFFF  }
tec
execute0_lowered:
.L_overlay_start_1:
0x0: {  	(tag) =	ssettag $0x1  }
0x1: {  	s0 =	srdreg.scid  }
0x2: {  	s1 =	sshll.u32 s0, $0x4  }
0x3: {  	s0 =	stileid.u32;
	s1 =	sand.u32 $0x10, s1  }
0x4: {  	s6 =	rddreg [dreg:$0x0];
	s2 =	sor.u32 s0, s1  }
0x5: {  	s4 =	simm.s32 $0x1;
	s7 =	simm.s32 $0x2;
	s3 =	ssub.s32 $0x1C, s2  }
0x6: {  	s14 =	simm.s32 $0x0;
	s8 =	simm.s32 $0x800;
	p0 =	sgt.s32 s3, $0x0  }
0x7: {  	s9 =	simm.s32 $0xE000;
	s10 =	simm.s32 $0x0;
	s3 =	simm.s32 @!p0 $0x0  }
.Ltmp0:
0x8: {  	s15 =	simm.s32 $0x0;
	s3 =	sadd.s32 $0x1F, s3;
	(pc) =	sbr.rel .LBB1_1-.Ltmp0, $4  }
0x9: {  	s1 =	rddreg [dreg:$0x1];
	_ =	strace $0x8000004A;
	s5 =	sshrl.u32 s3, $0x5  }
0xa: {  	s11 =	simm.s32 $0x0;
	[sflag:s4] =	ssyncpa.u1 $0x0;
	s5 =	smul.u32 $0x1C, s5  }
0xb: {  	s13 =	simm.s32 $0x0;
	s12 =	smov.u32 s2;
	[sflag:s7] =	ssyncpa.u1 $0x0  }
0xc: {  	s3 =	sadd.s32 $0x1C00, s6;
	s6 =	sadd.s32 $0x189C00, s6;
	s7 =	sor.u32 $0x1, s5  }
.LBB1_7:
0xd: {  	s16 =	sadd.s32 $0x1, s11  }
0xe: {  	s14 =	sadd.s32 $0x20, s12;
	s18 =	smov.u32 s12;
	p1 =	sgt.s32 s16, $0x1B  }
0xf: {  	s18 =	smov.u32 @p1 s14  }
0x10: {  	s16 =	simm.s32 @p1 $0x0;
	p1 =	sgt.s32 s18, $0x1B  }
0x11: {  	s18 =	smov.u32 @p1 s2;
	p1 =	sne.s32 s13, s7  }
.Ltmp1:
0x12: {  	p0 =	slt.u32 s13, $0x2;
	(pc) =	sbr.rel @!p1 .LBB1_8-.Ltmp1, $4  }
0x13: {  	s17 =	simm.s32 @!p0 $0x2  }
0x14: {  	s15 =	smov.u32 s12;
	s10 =	sadd.s32 $0x4000, s10;
	_ =	swait.ge @!p0 [sflag:s17], $0x4000  }
0x15: {  	s14 =	smov.u32 s11;
	[sflag:s17] =	ssyncset.done @!p0 $0x0;
	s11 =	smov.u32 s16  }
0x16: {  	s13 =	sadd.s32 $0x1, s13;
	[sflag:s17] =	ssyncadd.s32 @!p0 $0xFFFFC000;
	s12 =	smov.u32 s18  }
.LBB1_1:
0x17: {  	p0 =	sge.u32 s13, s5  }
0x18: {  	s16 =	smul.u32 @!p0 $0xE000, s12  }
0x19: {  	s31 =	sadd.s32 $0xFFFFFFFF, s13;
	s17 =	sxor.u32 @!p0 $0xFFFFFFFF, s13  }
0x1a: {  	s18 =	sshll.u32 @!p0 s11, $0xB;
	s17 =	sshll.u32 @!p0 s17, $0xE;
	s16 =	sadd.s32 @!p0 s3, s16  }
0x1b: {  	s17 =	sand.u32 @!p0 $0x4000, s17;
	s16 =	sadd.s32 @!p0 s18, s16;
	s18 =	simm.s32 @!p0 $0x0  }
0x1c: {  	[tilespmem:s17], [sflag:$0x1] =	stream.linear.gather @!p0 [hbm4b:s16+s18], $0x4000, $0x38;
	[tilespmem:$0x10000] =	vst v63  }
0x1d: {  	p0 =	sge.u32 s31, s5  }
.Ltmp2:
0x1e: {  	_ = 	snop;
	(pc) =	sbr.rel @p0 .LBB1_7-.Ltmp2, $1  }
0x1f: {  	_ =	sdelay $0x3  }
0x20: {  	s17 =	sand.u32 $0x4000, s10  }
0x21: {  	_ =	swait.ge [sflag:s4], $0x4000;
	s19 =	sshll.u32 s13, $0xE;
	s16 =	sor.u32 $0x400, s17  }
0x22: {  	s18 =	sor.u32 $0x8470, s17;
	[sflag:s4] =	ssyncset.done $0x0;
	s31 =	sand.u32 $0x4000, s19  }
0x23: {  	s19 =	simm.s32 $0x0;
	[sflag:s4] =	ssyncadd.s32 $0xFFFFC000;
	s17 =	sor.u32 $0x8000, s31  }
.LBB1_3:
0x24: {  	v1 =	vmov s16;
	_ =	sdelay $0x3  }
0x25: {  	s20 =	simm.s32 $0x0  }
0x26: {  	v2 =	vld.idx.msk [tilespmem:v1+s20+$0x70 ss:$0x1], $0xffff  }
0x27: {  	v0 =	vmov s18;
	v3 =	vld.idx.msk [tilespmem:v1+s20+$0xFFFFFC00 ss:$0x1], $0xffff  }
0x28: {  	v4 =	vld.idx.msk [tilespmem:v1+s20+$0xFFFFFC10 ss:$0x1], $0xffff  }
0x29: {  	v5 =	vld.idx.msk [tilespmem:v1+s20+$0xFFFFFC20 ss:$0x1], $0xffff  }
0x2a: {  	v6 =	vld.idx.msk [tilespmem:v1+s20+$0xFFFFFC30 ss:$0x1], $0xffff  }
0x2b: {  	v7 =	vld.idx.msk [tilespmem:v1+s20+$0xFFFFFC40 ss:$0x1], $0xffff  }
0x2c: {  	v8 =	vld.idx.msk [tilespmem:v1+s20+$0xFFFFFC50 ss:$0x1], $0xffff;
	[tilespmem:v0+s20+$0x0 ss:$0x1] =	vst.idx.msk $0xffff, v2  }
0x2d: {  	v9 =	vld.idx.msk [tilespmem:v1+s20+$0xFFFFFC60 ss:$0x1], $0xffff;
	[tilespmem:v0+s20+$0xFFFFFB90 ss:$0x1] =	vst.idx.msk $0xffff, v3  }
0x2e: {  	v10 =	vld.idx.msk [tilespmem:v1+s20+$0xFFFFFC70 ss:$0x1], $0xffff;
	[tilespmem:v0+s20+$0xFFFFFBA0 ss:$0x1] =	vst.idx.msk $0xffff, v4  }
0x2f: {  	v11 =	vld.idx.msk [tilespmem:v1+s20+$0x0 ss:$0x1], $0xffff;
	[tilespmem:v0+s20+$0xFFFFFBB0 ss:$0x1] =	vst.idx.msk $0xffff, v5  }
0x30: {  	[tilespmem:v0+s20+$0xFFFFFBC0 ss:$0x1] =	vst.idx.msk $0xffff, v6;
	v2 =	vld.idx.msk [tilespmem:v1+s20+$0x10 ss:$0x1], $0xffff  }
0x31: {  	[tilespmem:v0+s20+$0xFFFFFBD0 ss:$0x1] =	vst.idx.msk $0xffff, v7;
	v3 =	vld.idx.msk [tilespmem:v1+s20+$0x20 ss:$0x1], $0xffff  }
0x32: {  	[tilespmem:v0+s20+$0xFFFFFBE0 ss:$0x1] =	vst.idx.msk $0xffff, v8;
	v4 =	vld.idx.msk [tilespmem:v1+s20+$0x30 ss:$0x1], $0xffff  }
0x33: {  	[tilespmem:v0+s20+$0xFFFFFBF0 ss:$0x1] =	vst.idx.msk $0xffff, v9;
	v5 =	vld.idx.msk [tilespmem:v1+s20+$0x40 ss:$0x1], $0xffff  }
0x34: {  	[tilespmem:v0+s20+$0xFFFFFC00 ss:$0x1] =	vst.idx.msk $0xffff, v10;
	v6 =	vld.idx.msk [tilespmem:v1+s20+$0x50 ss:$0x1], $0xffff  }
0x35: {  	s21 =	simm.s32 $0x80;
	s22 =	simm.s32 $0x400;
	[tilespmem:v0+s20+$0xFFFFFF90 ss:$0x1] =	vst.idx.msk $0xffff, v11;
	v7 =	vld.idx.msk [tilespmem:v1+s20+$0x60 ss:$0x1], $0xffff  }
.LBB1_4:
0x36: {  	p0 =	sne.s32 s22, $0xE00;
	v8 =	vld.idx.msk [tilespmem:v1+s21+$0x70 ss:$0x1], $0xffff;
	[tilespmem:v0+s20+$0xFFFFFFA0 ss:$0x1] =	vst.idx.msk $0xffff, v2  }
0x37: {  	v2 =	vld.idx.msk [tilespmem:v1+s21+$0xFFFFFC00 ss:$0x1], $0xffff;
	[tilespmem:v0+s20+$0xFFFFFFB0 ss:$0x1] =	vst.idx.msk $0xffff, v3  }
0x38: {  	v3 =	vld.idx.msk [tilespmem:v1+s21+$0xFFFFFC10 ss:$0x1], $0xffff;
	[tilespmem:v0+s20+$0xFFFFFFC0 ss:$0x1] =	vst.idx.msk $0xffff, v4  }
0x39: {  	v4 =	vld.idx.msk [tilespmem:v1+s21+$0xFFFFFC20 ss:$0x1], $0xffff;
	[tilespmem:v0+s20+$0xFFFFFFD0 ss:$0x1] =	vst.idx.msk $0xffff, v5  }
0x3a: {  	v5 =	vld.idx.msk [tilespmem:v1+s21+$0xFFFFFC30 ss:$0x1], $0xffff;
	[tilespmem:v0+s20+$0xFFFFFFE0 ss:$0x1] =	vst.idx.msk $0xffff, v6  }
0x3b: {  	v6 =	vld.idx.msk [tilespmem:v1+s21+$0xFFFFFC40 ss:$0x1], $0xffff;
	[tilespmem:v0+s20+$0xFFFFFFF0 ss:$0x1] =	vst.idx.msk $0xffff, v7;
	s20 =	smov.u32 s21  }
0x3c: {  	v7 =	vld.idx.msk [tilespmem:v1+s20+$0xFFFFFC50 ss:$0x1], $0xffff;
	[tilespmem:v0+s20+$0x0 ss:$0x1] =	vst.idx.msk $0xffff, v8  }
0x3d: {  	[tilespmem:v0+s20+$0xFFFFFB90 ss:$0x1] =	vst.idx.msk $0xffff, v2;
	v8 =	vld.idx.msk [tilespmem:v1+s20+$0xFFFFFC60 ss:$0x1], $0xffff  }
0x3e: {  	[tilespmem:v0+s20+$0xFFFFFBA0 ss:$0x1] =	vst.idx.msk $0xffff, v3;
	v9 =	vld.idx.msk [tilespmem:v1+s20+$0xFFFFFC70 ss:$0x1], $0xffff  }
0x3f: {  	[tilespmem:v0+s20+$0xFFFFFBB0 ss:$0x1] =	vst.idx.msk $0xffff, v4;
	v10 =	vld.idx.msk [tilespmem:v1+s20+$0x0 ss:$0x1], $0xffff  }
0x40: {  	[tilespmem:v0+s20+$0xFFFFFBC0 ss:$0x1] =	vst.idx.msk $0xffff, v5;
	v2 =	vld.idx.msk [tilespmem:v1+s20+$0x10 ss:$0x1], $0xffff  }
.Ltmp3:
0x41: {  	[tilespmem:v0+s20+$0xFFFFFBD0 ss:$0x1] =	vst.idx.msk $0xffff, v6;
	v3 =	vld.idx.msk [tilespmem:v1+s20+$0x20 ss:$0x1], $0xffff;
	(pc) =	sbr.rel @p0 .LBB1_4-.Ltmp3, $4  }
0x42: {  	[tilespmem:v0+s20+$0xFFFFFBE0 ss:$0x1] =	vst.idx.msk $0xffff, v7;
	v4 =	vld.idx.msk [tilespmem:v1+s20+$0x30 ss:$0x1], $0xffff  }
0x43: {  	[tilespmem:v0+s20+$0xFFFFFBF0 ss:$0x1] =	vst.idx.msk $0xffff, v8;
	v5 =	vld.idx.msk [tilespmem:v1+s20+$0x40 ss:$0x1], $0xffff  }
0x44: {  	[tilespmem:v0+s20+$0xFFFFFC00 ss:$0x1] =	vst.idx.msk $0xffff, v9;
	v6 =	vld.idx.msk [tilespmem:v1+s20+$0x50 ss:$0x1], $0xffff  }
0x45: {  	s21 =	sshra.s32 s22, $0x2;
	s22 =	sadd.s32 $0x200, s22;
	[tilespmem:v0+s20+$0xFFFFFF90 ss:$0x1] =	vst.idx.msk $0xffff, v10;
	v7 =	vld.idx.msk [tilespmem:v1+s20+$0x60 ss:$0x1], $0xffff  }
0x46: {  	_ =	sdelay $0x3  }
0x47: {  	[tilespmem:v0+s20+$0xFFFFFFA0 ss:$0x1] =	vst.idx.msk $0xffff, v2  }
0x48: {  	v48 =	vld.idx.msk [tilespmem:v1+s21+$0x70 ss:$0x1], $0xffff;
	[tilespmem:v0+s20+$0xFFFFFFB0 ss:$0x1] =	vst.idx.msk $0xffff, v3  }
0x49: {  	v49 =	vld.idx.msk [tilespmem:v1+s21+$0xFFFFFC00 ss:$0x1], $0xffff;
	[tilespmem:v0+s20+$0xFFFFFFC0 ss:$0x1] =	vst.idx.msk $0xffff, v4  }
0x4a: {  	v50 =	vld.idx.msk [tilespmem:v1+s21+$0xFFFFFC10 ss:$0x1], $0xffff;
	[tilespmem:v0+s20+$0xFFFFFFD0 ss:$0x1] =	vst.idx.msk $0xffff, v5  }
0x4b: {  	v51 =	vld.idx.msk [tilespmem:v1+s21+$0xFFFFFC20 ss:$0x1], $0xffff;
	[tilespmem:v0+s20+$0xFFFFFFE0 ss:$0x1] =	vst.idx.msk $0xffff, v6  }
0x4c: {  	v52 =	vld.idx.msk [tilespmem:v1+s21+$0xFFFFFC30 ss:$0x1], $0xffff;
	[tilespmem:v0+s20+$0xFFFFFFF0 ss:$0x1] =	vst.idx.msk $0xffff, v7  }
0x4d: {  	v53 =	vld.idx.msk [tilespmem:v1+s21+$0xFFFFFC40 ss:$0x1], $0xffff;
	[tilespmem:v0+s21+$0x0 ss:$0x1] =	vst.idx.msk $0xffff, v48  }
0x4e: {  	v54 =	vld.idx.msk [tilespmem:v1+s21+$0xFFFFFC50 ss:$0x1], $0xffff;
	[tilespmem:v0+s21+$0xFFFFFB90 ss:$0x1] =	vst.idx.msk $0xffff, v49  }
0x4f: {  	v55 =	vld.idx.msk [tilespmem:v1+s21+$0xFFFFFC60 ss:$0x1], $0xffff;
	[tilespmem:v0+s21+$0xFFFFFBA0 ss:$0x1] =	vst.idx.msk $0xffff, v50  }
0x50: {  	v56 =	vld.idx.msk [tilespmem:v1+s21+$0xFFFFFC70 ss:$0x1], $0xffff;
	[tilespmem:v0+s21+$0xFFFFFBB0 ss:$0x1] =	vst.idx.msk $0xffff, v51  }
0x51: {  	v57 =	vld.idx.msk [tilespmem:v1+s21+$0x0 ss:$0x1], $0xffff;
	[tilespmem:v0+s21+$0xFFFFFBC0 ss:$0x1] =	vst.idx.msk $0xffff, v52  }
0x52: {  	v58 =	vld.idx.msk [tilespmem:v1+s21+$0x10 ss:$0x1], $0xffff;
	[tilespmem:v0+s21+$0xFFFFFBD0 ss:$0x1] =	vst.idx.msk $0xffff, v53  }
0x53: {  	v59 =	vld.idx.msk [tilespmem:v1+s21+$0x20 ss:$0x1], $0xffff;
	[tilespmem:v0+s21+$0xFFFFFBE0 ss:$0x1] =	vst.idx.msk $0xffff, v54  }
0x54: {  	v60 =	vld.idx.msk [tilespmem:v1+s21+$0x30 ss:$0x1], $0xffff;
	[tilespmem:v0+s21+$0xFFFFFBF0 ss:$0x1] =	vst.idx.msk $0xffff, v55  }
0x55: {  	v61 =	vld.idx.msk [tilespmem:v1+s21+$0x40 ss:$0x1], $0xffff;
	[tilespmem:v0+s21+$0xFFFFFC00 ss:$0x1] =	vst.idx.msk $0xffff, v56  }
0x56: {  	v62 =	vld.idx.msk [tilespmem:v1+s21+$0x50 ss:$0x1], $0xffff;
	s19 =	sadd.s32 $0x1, s19;
	[tilespmem:v0+s21+$0xFFFFFF90 ss:$0x1] =	vst.idx.msk $0xffff, v57  }
0x57: {  	v63 =	vld.idx.msk [tilespmem:v1+s21+$0x60 ss:$0x1], $0xffff;
	p0 =	sne.s32 s19, $0x8;
	[tilespmem:v0+s21+$0xFFFFFFA0 ss:$0x1] =	vst.idx.msk $0xffff, v58  }
.Ltmp4:
0x58: {  	[tilespmem:v0+s21+$0xFFFFFFB0 ss:$0x1] =	vst.idx.msk $0xffff, v59;
	(pc) =	sbr.rel @p0 .LBB1_3-.Ltmp4, $4  }
0x59: {  	[tilespmem:v0+s21+$0xFFFFFFC0 ss:$0x1] =	vst.idx.msk $0xffff, v60  }
0x5a: {  	[tilespmem:v0+s21+$0xFFFFFFD0 ss:$0x1] =	vst.idx.msk $0xffff, v61  }
0x5b: {  	[tilespmem:v0+s21+$0xFFFFFFE0 ss:$0x1] =	vst.idx.msk $0xffff, v62  }
0x5c: {  	s16 =	sadd.s32 $0x800, s16;
	s18 =	sadd.s32 $0x800, s18;
	[tilespmem:v0+s21+$0xFFFFFFF0 ss:$0x1] =	vst.idx.msk $0xffff, v63  }
0x5d: {  	s15 =	smul.u32 $0xE000, s15  }
.Ltmp5:
0x5e: {  	_ = 	snop;
	(pc) =	sbr.rel .LBB1_7-.Ltmp5, $4  }
0x5f: {  	_ = 	snop  }
0x60: {  	s14 =	sshll.u32 s14, $0x8;
	s15 =	sadd.s32 s6, s15  }
0x61: {  	s14 =	sadd.s32 s14, s15  }
0x62: {  	[hbm4b:s14+s8] =	stream.strided.scatter [tilespmem:s17], [sflag:$0x2], $0x4000, s9, s8, $0x38;
	[tilespmem:$0x10000] =	vst v63  }
.LBB1_8:
0x63: {  	_ =	sfence.sel $0x180000  }
0x64: {  	s2 =	simm.s32 $0x1;
	[bflag:$0x0] =	sbarrier.arrive $0xFFFF  }
0x65: {  	s31 =	simm.s32 $0x2;
	[sflag:s2] =	ssyncpa.u1 $0x1  }
0x66: {  	[sflag:s31] =	ssyncpa.u1 $0x1  }
0x67: {  	p0 =	sne.s32 s0, $0x0;
	_ =	strace $0x9000004A  }
0x68: {  	s0 =	sadd.s32 @!p0 $0x100000, s1;
	[bflag:$0x2] =	sbarrier.arrive $0xFFFF  }
0x69: {  	[sflag:s0] =	ssyncadd.tile.s32 @!p0 $0x1;
	_ =	shalt  }
.Lfunc_end1:
_tile_overlayer_lowered:
.L_overlay_start_2:
0x6a: {  	(tag) =	ssettag $0x2  }
0x6b: {  	s0 =	rddreg [dreg:$0x0];
	s2 =	stileid.u32  }
0x6c: {  	s1 =	rddreg [dreg:$0x1];
	p0 =	sne.s32 s2, $0x0  }
0x6d: {  	s3 =	rddreg [dreg:$0x2];
	[bflag:$0x3] =	sbarrier.arrive $0xFFFF;
	s2 =	simm.s32 @!p0 $0x1C01  }
0x6e: {  	[timem:s3], [sflag:s2] =	dma.local @!p0 [hbm:s0], s1  }
0x6f: {  	s0 =	simm.s32 @!p0 $0x1  }
0x70: {  	_ =	swait.ge @!p0 [sflag:s0], s1  }
0x71: {  	s1 =	ssub.s32 @!p0 $0x0, s1;
	[sflag:s0] =	ssyncset.done @!p0 $0x0  }
0x72: {  	[sflag:s0] =	ssyncadd.s32 @!p0 s1  }
0x73: {  	[bflag:$0x3] =	sbarrier.arrive $0xFFFF  }
0x74: {  	_ =	shalt  }

</sc_bundles>
